<compile_context>
chip_gen: v7x
topology: tpu7x:2x2x1
jax: 0.10.2.dev20260603
libtpu: 0.0.44.dev20260713+nightly
codegen_flags: <defaults>
</compile_context>

<pallas_src>
import functools

import jax
import jax.numpy as jnp
from jax import lax
from jax.experimental import pallas as pl
from jax.experimental.pallas import tpu as pltpu
from jax.experimental.pallas import tpu_sc as plsc

_BATCH = 16384
_D = 64
_NC = 2
_NS = 16
_NW = _NC * _NS
_BPW = _BATCH // _NW
_CHUNK = 128
_NCH = _BPW // _CHUNK


def _mf_body(uid_hbm, iid_hbm, uemb_hbm, iemb_hbm, ub_hbm, ib_hbm, gb_hbm,
             out_hbm,
             uid_v, iid_v, urows_v, irows_v, ub_v, ib_v, gb_v, out_v, sem):
  wid = lax.axis_index("s") * _NC + lax.axis_index("c")
  base = wid * _BPW

  for c in range(_NCH):
    pltpu.sync_copy(uid_hbm.at[pl.ds(base + c * _CHUNK, _CHUNK)], uid_v.at[c])
    pltpu.sync_copy(iid_hbm.at[pl.ds(base + c * _CHUNK, _CHUNK)], iid_v.at[c])
  pltpu.sync_copy(gb_hbm, gb_v)

  copies = []
  for c in range(_NCH):
    sl = pl.ds(c * _CHUNK, _CHUNK)
    copies.append(pltpu.async_copy(uemb_hbm.at[uid_v.at[c]], urows_v.at[sl], sem))
    copies.append(pltpu.async_copy(iemb_hbm.at[iid_v.at[c]], irows_v.at[sl], sem))
    copies.append(pltpu.async_copy(ub_hbm.at[uid_v.at[c]], ub_v.at[sl], sem))
    copies.append(pltpu.async_copy(ib_hbm.at[iid_v.at[c]], ib_v.at[sl], sem))
  for cp in copies:
    cp.wait()

  gbvec = gb_v[...]

  def group(g, carry):
    rbase = g * 16
    rows = rbase + lax.iota(jnp.int32, 16)
    acc = jnp.zeros((16,), jnp.float32)
    for j in range(_D):
      cols = jnp.full((16,), j, jnp.int32)
      u = plsc.load_gather(urows_v, [rows, cols])
      w = plsc.load_gather(irows_v, [rows, cols])
      acc = acc + u * w
    res = acc + ub_v[pl.ds(rbase, 16)] + ib_v[pl.ds(rbase, 16)] + gbvec
    out_v[pl.ds(rbase, 16)] = res
    return carry

  lax.fori_loop(0, _BPW // 16, group, 0)

  pltpu.sync_copy(out_v, out_hbm.at[pl.ds(base, _BPW)])


@jax.jit
def _mf(uid, iid, uemb, iemb, ub, ib, gb):
  mesh = plsc.VectorSubcoreMesh(core_axis_name="c", subcore_axis_name="s")
  f = functools.partial(
      pl.kernel,
      out_type=jax.ShapeDtypeStruct((_BATCH,), jnp.float32),
      mesh=mesh,
      compiler_params=pltpu.CompilerParams(
          needs_layout_passes=False, use_tc_tiling_on_sc=False),
      scratch_types=[
          pltpu.VMEM((_NCH, _CHUNK), jnp.int32),
          pltpu.VMEM((_NCH, _CHUNK), jnp.int32),
          pltpu.VMEM((_BPW, _D), jnp.float32),
          pltpu.VMEM((_BPW, _D), jnp.float32),
          pltpu.VMEM((_BPW,), jnp.float32),
          pltpu.VMEM((_BPW,), jnp.float32),
          pltpu.VMEM((16,), jnp.float32),
          pltpu.VMEM((_BPW,), jnp.float32),
          pltpu.SemaphoreType.DMA,
      ],
  )(_mf_body)
  return f(uid, iid, uemb, iemb, ub, ib, gb)


def kernel(user_ids, item_ids, user_embeddings, item_embeddings, user_bias,
           item_bias, global_bias):
  uid = user_ids.astype(jnp.int32)
  iid = item_ids.astype(jnp.int32)
  ub = user_bias.reshape(-1)
  ib = item_bias.reshape(-1)
  gb16 = jnp.broadcast_to(global_bias.reshape(-1), (16,))
  return _mf(uid, iid, user_embeddings, item_embeddings, ub, ib, gb16)

# --- scband reference (transcript-rebuilt; emitter-appended) ---
"""Pipeline reference for scband-matrix-factorization-53017076302277 (READ-ONLY COPY).

The authoritative reference and input builder live on the scoring server;
editing this copy changes nothing except your own understanding.
"""

import jax, jax.numpy as jnp
import numpy as np

N_USERS = 1000000
N_ITEMS = 1000000
EMBED_DIM = 64
BATCH = 16384

def setup_inputs(seed: int = 0) -> dict:
    key = jax.random.key(seed)
    k1, k2, k3, k4 = jax.random.split(key, 4)
    user_ids = jax.random.randint(k1, (BATCH,), 0, N_USERS, dtype=jnp.int64) if jax.config.jax_enable_x64 else jax.random.randint(k1, (BATCH,), 0, N_USERS, dtype=jnp.int32)
    item_ids = jax.random.randint(k2, (BATCH,), 0, N_ITEMS, dtype=jnp.int64) if jax.config.jax_enable_x64 else jax.random.randint(k2, (BATCH,), 0, N_ITEMS, dtype=jnp.int32)
    user_embeddings = jax.random.normal(k3, (N_USERS, EMBED_DIM), dtype=jnp.float32) * 0.01
    item_embeddings = jax.random.normal(k4, (N_ITEMS, EMBED_DIM), dtype=jnp.float32) * 0.01
    user_bias = jnp.zeros((N_USERS, 1), dtype=jnp.float32)
    item_bias = jnp.zeros((N_ITEMS, 1), dtype=jnp.float32)
    global_bias = jnp.zeros((1,), dtype=jnp.float32)
    return {
        "user_ids": user_ids,
        "item_ids": item_ids,
        "user_embeddings": user_embeddings,
        "item_embeddings": item_embeddings,
        "user_bias": user_bias,
        "item_bias": item_bias,
        "global_bias": global_bias,
    }

def reference(user_ids, item_ids, user_embeddings, item_embeddings, user_bias, item_bias, global_bias):
    user_embed = jnp.take(user_embeddings, user_ids, axis=0)
    item_embed = jnp.take(item_embeddings, item_ids, axis=0)
    user_b = jnp.take(user_bias, user_ids, axis=0).squeeze()
    item_b = jnp.take(item_bias, item_ids, axis=0).squeeze()
    dot_product = jnp.sum(user_embed * item_embed, axis=1)
    predictions = dot_product + user_b + item_b + global_bias
    return predictions

if __name__ == "__main__":
    import jax
    _d = setup_inputs()
    print(jax.jit(kernel)(*tuple(_d.values())))

</pallas_src>

<mosaic_0001>
#map = affine_map<(d0, d1) -> (0)>
#map1 = affine_map<(d0, d1) -> (0, 0)>
module attributes {stable_mosaic.version = 14 : i64} {
  func.func @_mf_body(%arg0: i32, %arg1: i32, %arg2: memref<16384xi32, #tpu.memory_space<hbm>>, %arg3: memref<16384xi32, #tpu.memory_space<hbm>>, %arg4: memref<1000000x64xf32, #tpu.memory_space<hbm>>, %arg5: memref<1000000x64xf32, #tpu.memory_space<hbm>>, %arg6: memref<1000000xf32, #tpu.memory_space<hbm>>, %arg7: memref<1000000xf32, #tpu.memory_space<hbm>>, %arg8: memref<16xf32, #tpu.memory_space<hbm>>, %arg9: memref<16384xf32, #tpu.memory_space<hbm>>, %arg10: memref<4x128xi32, #tpu.memory_space<vmem>>, %arg11: memref<4x128xi32, #tpu.memory_space<vmem>>, %arg12: memref<512x64xf32, #tpu.memory_space<vmem>>, %arg13: memref<512x64xf32, #tpu.memory_space<vmem>>, %arg14: memref<512xf32, #tpu.memory_space<vmem>>, %arg15: memref<512xf32, #tpu.memory_space<vmem>>, %arg16: memref<16xf32, #tpu.memory_space<vmem>>, %arg17: memref<512xf32, #tpu.memory_space<vmem>>, %arg18: memref<!tpu.dma_semaphore, #tpu.memory_space<semaphore_mem>>) attributes {dimension_semantics = [#tpu.dimension_semantics<core_parallel>, #tpu.dimension_semantics<subcore_parallel>], iteration_bounds = array<i64: 2, 16>, scalar_prefetch = 0 : i64, scratch_operands = 9 : i64, tpu.core_type = #tpu.core_type<sc_vector_subcore>, window_params = [{transform_indices = #map}, {transform_indices = #map}, {transform_indices = #map1}, {transform_indices = #map1}, {transform_indices = #map}, {transform_indices = #map}, {transform_indices = #map}, {transform_indices = #map}]} {
    %mul3A = arith.constant 2 : i32
    %mul3A_0 = arith.muli %arg1, %mul3A : i32
    %add3A = arith.addi %mul3A_0, %arg0 : i32
    %mul3A_1 = arith.constant 512 : i32
    %mul3A_2 = arith.muli %add3A, %mul3A_1 : i32
    %add3A_3 = arith.constant 0 : i32
    %add3A_4 = arith.addi %mul3A_2, %add3A_3 : i32
    %run_scoped3A = arith.constant 0 : i32
    "tpu.region"() ({
      %run_scoped3A_318 = tpu.sem_alloc : memref<!tpu.dma_semaphore, #tpu.memory_space<semaphore_mem>>
      %dma_start3A_319 = arith.constant 0 : i32
      %dma_start3A_320 = tpu.memref_slice %arg10[%run_scoped3A, %dma_start3A_319] : memref<4x128xi32, #tpu.memory_space<vmem>> -> memref<1x128xi32, #tpu.memory_space<vmem>>
      %dma_start3A_321 = tpu.memref_squeeze %dma_start3A_320 : memref<1x128xi32, #tpu.memory_space<vmem>> -> memref<128xi32, #tpu.memory_space<vmem>>
      %dma_start3A_322 = tpu.memref_slice %arg2[%add3A_4] : memref<16384xi32, #tpu.memory_space<hbm>> -> memref<128xi32, #tpu.memory_space<hbm>>
      %dma_start3A_323 = arith.constant 0 : i32
      %dma_start3A_324 = tpu.memref_slice %arg10[%run_scoped3A, %dma_start3A_323] : memref<4x128xi32, #tpu.memory_space<vmem>> -> memref<1x128xi32, #tpu.memory_space<vmem>>
      %dma_start3A_325 = tpu.memref_squeeze %dma_start3A_324 : memref<1x128xi32, #tpu.memory_space<vmem>> -> memref<128xi32, #tpu.memory_space<vmem>>
      %dma_start3A_326 = tpu.memref_slice %arg2[%add3A_4] : memref<16384xi32, #tpu.memory_space<hbm>> -> memref<128xi32, #tpu.memory_space<hbm>>
      tpu.enqueue_dma source(%dma_start3A_326 : memref<128xi32, #tpu.memory_space<hbm>>) target(%dma_start3A_325 : memref<128xi32, #tpu.memory_space<vmem>>) target_semaphore(%run_scoped3A_318 : memref<!tpu.dma_semaphore, #tpu.memory_space<semaphore_mem>>)
      %dma_wait3A_327 = arith.constant 0 : i32
      %dma_wait3A_328 = tpu.memref_slice %arg10[%run_scoped3A, %dma_wait3A_327] : memref<4x128xi32, #tpu.memory_space<vmem>> -> memref<1x128xi32, #tpu.memory_space<vmem>>
      %dma_wait3A_329 = tpu.memref_squeeze %dma_wait3A_328 : memref<1x128xi32, #tpu.memory_space<vmem>> -> memref<128xi32, #tpu.memory_space<vmem>>
      %dma_wait3A_330 = tpu.memref_slice %arg2[%add3A_4] : memref<16384xi32, #tpu.memory_space<hbm>> -> memref<128xi32, #tpu.memory_space<hbm>>
      %dma_wait3A_331 = arith.constant 0 : i32
      %dma_wait3A_332 = tpu.memref_slice %arg10[%run_scoped3A, %dma_wait3A_331] : memref<4x128xi32, #tpu.memory_space<vmem>> -> memref<1x128xi32, #tpu.memory_space<vmem>>
      %dma_wait3A_333 = tpu.memref_squeeze %dma_wait3A_332 : memref<1x128xi32, #tpu.memory_space<vmem>> -> memref<128xi32, #tpu.memory_space<vmem>>
      %dma_wait3A_334 = tpu.memref_slice %arg2[%add3A_4] : memref<16384xi32, #tpu.memory_space<hbm>> -> memref<128xi32, #tpu.memory_space<hbm>>
      tpu.wait_dma2 semaphore(%run_scoped3A_318 : memref<!tpu.dma_semaphore, #tpu.memory_space<semaphore_mem>>) src(%dma_wait3A_334 : memref<128xi32, #tpu.memory_space<hbm>>) dst(%dma_wait3A_333 : memref<128xi32, #tpu.memory_space<vmem>>)
      tpu.yield
    }) : () -> ()
    %add3A_5 = arith.constant 0 : i32
    %add3A_6 = arith.addi %mul3A_2, %add3A_5 : i32
    %run_scoped3A_7 = arith.constant 0 : i32
    "tpu.region"() ({
      %run_scoped3A_318 = tpu.sem_alloc : memref<!tpu.dma_semaphore, #tpu.memory_space<semaphore_mem>>
      %dma_start3A_319 = arith.constant 0 : i32
      %dma_start3A_320 = tpu.memref_slice %arg11[%run_scoped3A_7, %dma_start3A_319] : memref<4x128xi32, #tpu.memory_space<vmem>> -> memref<1x128xi32, #tpu.memory_space<vmem>>
      %dma_start3A_321 = tpu.memref_squeeze %dma_start3A_320 : memref<1x128xi32, #tpu.memory_space<vmem>> -> memref<128xi32, #tpu.memory_space<vmem>>
      %dma_start3A_322 = tpu.memref_slice %arg3[%add3A_6] : memref<16384xi32, #tpu.memory_space<hbm>> -> memref<128xi32, #tpu.memory_space<hbm>>
      %dma_start3A_323 = arith.constant 0 : i32
      %dma_start3A_324 = tpu.memref_slice %arg11[%run_scoped3A_7, %dma_start3A_323] : memref<4x128xi32, #tpu.memory_space<vmem>> -> memref<1x128xi32, #tpu.memory_space<vmem>>
      %dma_start3A_325 = tpu.memref_squeeze %dma_start3A_324 : memref<1x128xi32, #tpu.memory_space<vmem>> -> memref<128xi32, #tpu.memory_space<vmem>>
      %dma_start3A_326 = tpu.memref_slice %arg3[%add3A_6] : memref<16384xi32, #tpu.memory_space<hbm>> -> memref<128xi32, #tpu.memory_space<hbm>>
      tpu.enqueue_dma source(%dma_start3A_326 : memref<128xi32, #tpu.memory_space<hbm>>) target(%dma_start3A_325 : memref<128xi32, #tpu.memory_space<vmem>>) target_semaphore(%run_scoped3A_318 : memref<!tpu.dma_semaphore, #tpu.memory_space<semaphore_mem>>)
      %dma_wait3A_327 = arith.constant 0 : i32
      %dma_wait3A_328 = tpu.memref_slice %arg11[%run_scoped3A_7, %dma_wait3A_327] : memref<4x128xi32, #tpu.memory_space<vmem>> -> memref<1x128xi32, #tpu.memory_space<vmem>>
      %dma_wait3A_329 = tpu.memref_squeeze %dma_wait3A_328 : memref<1x128xi32, #tpu.memory_space<vmem>> -> memref<128xi32, #tpu.memory_space<vmem>>
      %dma_wait3A_330 = tpu.memref_slice %arg3[%add3A_6] : memref<16384xi32, #tpu.memory_space<hbm>> -> memref<128xi32, #tpu.memory_space<hbm>>
      %dma_wait3A_331 = arith.constant 0 : i32
      %dma_wait3A_332 = tpu.memref_slice %arg11[%run_scoped3A_7, %dma_wait3A_331] : memref<4x128xi32, #tpu.memory_space<vmem>> -> memref<1x128xi32, #tpu.memory_space<vmem>>
      %dma_wait3A_333 = tpu.memref_squeeze %dma_wait3A_332 : memref<1x128xi32, #tpu.memory_space<vmem>> -> memref<128xi32, #tpu.memory_space<vmem>>
      %dma_wait3A_334 = tpu.memref_slice %arg3[%add3A_6] : memref<16384xi32, #tpu.memory_space<hbm>> -> memref<128xi32, #tpu.memory_space<hbm>>
      tpu.wait_dma2 semaphore(%run_scoped3A_318 : memref<!tpu.dma_semaphore, #tpu.memory_space<semaphore_mem>>) src(%dma_wait3A_334 : memref<128xi32, #tpu.memory_space<hbm>>) dst(%dma_wait3A_333 : memref<128xi32, #tpu.memory_space<vmem>>)
      tpu.yield
    }) : () -> ()
    %add3A_8 = arith.constant 128 : i32
    %add3A_9 = arith.addi %mul3A_2, %add3A_8 : i32
    %run_scoped3A_10 = arith.constant 1 : i32
    "tpu.region"() ({
      %run_scoped3A_318 = tpu.sem_alloc : memref<!tpu.dma_semaphore, #tpu.memory_space<semaphore_mem>>
      %dma_start3A_319 = arith.constant 0 : i32
      %dma_start3A_320 = tpu.memref_slice %arg10[%run_scoped3A_10, %dma_start3A_319] : memref<4x128xi32, #tpu.memory_space<vmem>> -> memref<1x128xi32, #tpu.memory_space<vmem>>
      %dma_start3A_321 = tpu.memref_squeeze %dma_start3A_320 : memref<1x128xi32, #tpu.memory_space<vmem>> -> memref<128xi32, #tpu.memory_space<vmem>>
      %dma_start3A_322 = tpu.memref_slice %arg2[%add3A_9] : memref<16384xi32, #tpu.memory_space<hbm>> -> memref<128xi32, #tpu.memory_space<hbm>>
      %dma_start3A_323 = arith.constant 0 : i32
      %dma_start3A_324 = tpu.memref_slice %arg10[%run_scoped3A_10, %dma_start3A_323] : memref<4x128xi32, #tpu.memory_space<vmem>> -> memref<1x128xi32, #tpu.memory_space<vmem>>
      %dma_start3A_325 = tpu.memref_squeeze %dma_start3A_324 : memref<1x128xi32, #tpu.memory_space<vmem>> -> memref<128xi32, #tpu.memory_space<vmem>>
      %dma_start3A_326 = tpu.memref_slice %arg2[%add3A_9] : memref<16384xi32, #tpu.memory_space<hbm>> -> memref<128xi32, #tpu.memory_space<hbm>>
      tpu.enqueue_dma source(%dma_start3A_326 : memref<128xi32, #tpu.memory_space<hbm>>) target(%dma_start3A_325 : memref<128xi32, #tpu.memory_space<vmem>>) target_semaphore(%run_scoped3A_318 : memref<!tpu.dma_semaphore, #tpu.memory_space<semaphore_mem>>)
      %dma_wait3A_327 = arith.constant 0 : i32
      %dma_wait3A_328 = tpu.memref_slice %arg10[%run_scoped3A_10, %dma_wait3A_327] : memref<4x128xi32, #tpu.memory_space<vmem>> -> memref<1x128xi32, #tpu.memory_space<vmem>>
      %dma_wait3A_329 = tpu.memref_squeeze %dma_wait3A_328 : memref<1x128xi32, #tpu.memory_space<vmem>> -> memref<128xi32, #tpu.memory_space<vmem>>
      %dma_wait3A_330 = tpu.memref_slice %arg2[%add3A_9] : memref<16384xi32, #tpu.memory_space<hbm>> -> memref<128xi32, #tpu.memory_space<hbm>>
      %dma_wait3A_331 = arith.constant 0 : i32
      %dma_wait3A_332 = tpu.memref_slice %arg10[%run_scoped3A_10, %dma_wait3A_331] : memref<4x128xi32, #tpu.memory_space<vmem>> -> memref<1x128xi32, #tpu.memory_space<vmem>>
      %dma_wait3A_333 = tpu.memref_squeeze %dma_wait3A_332 : memref<1x128xi32, #tpu.memory_space<vmem>> -> memref<128xi32, #tpu.memory_space<vmem>>
      %dma_wait3A_334 = tpu.memref_slice %arg2[%add3A_9] : memref<16384xi32, #tpu.memory_space<hbm>> -> memref<128xi32, #tpu.memory_space<hbm>>
      tpu.wait_dma2 semaphore(%run_scoped3A_318 : memref<!tpu.dma_semaphore, #tpu.memory_space<semaphore_mem>>) src(%dma_wait3A_334 : memref<128xi32, #tpu.memory_space<hbm>>) dst(%dma_wait3A_333 : memref<128xi32, #tpu.memory_space<vmem>>)
      tpu.yield
    }) : () -> ()
    %add3A_11 = arith.constant 128 : i32
    %add3A_12 = arith.addi %mul3A_2, %add3A_11 : i32
    %run_scoped3A_13 = arith.constant 1 : i32
    "tpu.region"() ({
      %run_scoped3A_318 = tpu.sem_alloc : memref<!tpu.dma_semaphore, #tpu.memory_space<semaphore_mem>>
      %dma_start3A_319 = arith.constant 0 : i32
      %dma_start3A_320 = tpu.memref_slice %arg11[%run_scoped3A_13, %dma_start3A_319] : memref<4x128xi32, #tpu.memory_space<vmem>> -> memref<1x128xi32, #tpu.memory_space<vmem>>
      %dma_start3A_321 = tpu.memref_squeeze %dma_start3A_320 : memref<1x128xi32, #tpu.memory_space<vmem>> -> memref<128xi32, #tpu.memory_space<vmem>>
      %dma_start3A_322 = tpu.memref_slice %arg3[%add3A_12] : memref<16384xi32, #tpu.memory_space<hbm>> -> memref<128xi32, #tpu.memory_space<hbm>>
      %dma_start3A_323 = arith.constant 0 : i32
      %dma_start3A_324 = tpu.memref_slice %arg11[%run_scoped3A_13, %dma_start3A_323] : memref<4x128xi32, #tpu.memory_space<vmem>> -> memref<1x128xi32, #tpu.memory_space<vmem>>
      %dma_start3A_325 = tpu.memref_squeeze %dma_start3A_324 : memref<1x128xi32, #tpu.memory_space<vmem>> -> memref<128xi32, #tpu.memory_space<vmem>>
      %dma_start3A_326 = tpu.memref_slice %arg3[%add3A_12] : memref<16384xi32, #tpu.memory_space<hbm>> -> memref<128xi32, #tpu.memory_space<hbm>>
      tpu.enqueue_dma source(%dma_start3A_326 : memref<128xi32, #tpu.memory_space<hbm>>) target(%dma_start3A_325 : memref<128xi32, #tpu.memory_space<vmem>>) target_semaphore(%run_scoped3A_318 : memref<!tpu.dma_semaphore, #tpu.memory_space<semaphore_mem>>)
      %dma_wait3A_327 = arith.constant 0 : i32
      %dma_wait3A_328 = tpu.memref_slice %arg11[%run_scoped3A_13, %dma_wait3A_327] : memref<4x128xi32, #tpu.memory_space<vmem>> -> memref<1x128xi32, #tpu.memory_space<vmem>>
      %dma_wait3A_329 = tpu.memref_squeeze %dma_wait3A_328 : memref<1x128xi32, #tpu.memory_space<vmem>> -> memref<128xi32, #tpu.memory_space<vmem>>
      %dma_wait3A_330 = tpu.memref_slice %arg3[%add3A_12] : memref<16384xi32, #tpu.memory_space<hbm>> -> memref<128xi32, #tpu.memory_space<hbm>>
      %dma_wait3A_331 = arith.constant 0 : i32
      %dma_wait3A_332 = tpu.memref_slice %arg11[%run_scoped3A_13, %dma_wait3A_331] : memref<4x128xi32, #tpu.memory_space<vmem>> -> memref<1x128xi32, #tpu.memory_space<vmem>>
      %dma_wait3A_333 = tpu.memref_squeeze %dma_wait3A_332 : memref<1x128xi32, #tpu.memory_space<vmem>> -> memref<128xi32, #tpu.memory_space<vmem>>
      %dma_wait3A_334 = tpu.memref_slice %arg3[%add3A_12] : memref<16384xi32, #tpu.memory_space<hbm>> -> memref<128xi32, #tpu.memory_space<hbm>>
      tpu.wait_dma2 semaphore(%run_scoped3A_318 : memref<!tpu.dma_semaphore, #tpu.memory_space<semaphore_mem>>) src(%dma_wait3A_334 : memref<128xi32, #tpu.memory_space<hbm>>) dst(%dma_wait3A_333 : memref<128xi32, #tpu.memory_space<vmem>>)
      tpu.yield
    }) : () -> ()
    %add3A_14 = arith.constant 256 : i32
    %add3A_15 = arith.addi %mul3A_2, %add3A_14 : i32
    %run_scoped3A_16 = arith.constant 2 : i32
    "tpu.region"() ({
      %run_scoped3A_318 = tpu.sem_alloc : memref<!tpu.dma_semaphore, #tpu.memory_space<semaphore_mem>>
      %dma_start3A_319 = arith.constant 0 : i32
      %dma_start3A_320 = tpu.memref_slice %arg10[%run_scoped3A_16, %dma_start3A_319] : memref<4x128xi32, #tpu.memory_space<vmem>> -> memref<1x128xi32, #tpu.memory_space<vmem>>
      %dma_start3A_321 = tpu.memref_squeeze %dma_start3A_320 : memref<1x128xi32, #tpu.memory_space<vmem>> -> memref<128xi32, #tpu.memory_space<vmem>>
      %dma_start3A_322 = tpu.memref_slice %arg2[%add3A_15] : memref<16384xi32, #tpu.memory_space<hbm>> -> memref<128xi32, #tpu.memory_space<hbm>>
      %dma_start3A_323 = arith.constant 0 : i32
      %dma_start3A_324 = tpu.memref_slice %arg10[%run_scoped3A_16, %dma_start3A_323] : memref<4x128xi32, #tpu.memory_space<vmem>> -> memref<1x128xi32, #tpu.memory_space<vmem>>
      %dma_start3A_325 = tpu.memref_squeeze %dma_start3A_324 : memref<1x128xi32, #tpu.memory_space<vmem>> -> memref<128xi32, #tpu.memory_space<vmem>>
      %dma_start3A_326 = tpu.memref_slice %arg2[%add3A_15] : memref<16384xi32, #tpu.memory_space<hbm>> -> memref<128xi32, #tpu.memory_space<hbm>>
      tpu.enqueue_dma source(%dma_start3A_326 : memref<128xi32, #tpu.memory_space<hbm>>) target(%dma_start3A_325 : memref<128xi32, #tpu.memory_space<vmem>>) target_semaphore(%run_scoped3A_318 : memref<!tpu.dma_semaphore, #tpu.memory_space<semaphore_mem>>)
      %dma_wait3A_327 = arith.constant 0 : i32
      %dma_wait3A_328 = tpu.memref_slice %arg10[%run_scoped3A_16, %dma_wait3A_327] : memref<4x128xi32, #tpu.memory_space<vmem>> -> memref<1x128xi32, #tpu.memory_space<vmem>>
      %dma_wait3A_329 = tpu.memref_squeeze %dma_wait3A_328 : memref<1x128xi32, #tpu.memory_space<vmem>> -> memref<128xi32, #tpu.memory_space<vmem>>
      %dma_wait3A_330 = tpu.memref_slice %arg2[%add3A_15] : memref<16384xi32, #tpu.memory_space<hbm>> -> memref<128xi32, #tpu.memory_space<hbm>>
      %dma_wait3A_331 = arith.constant 0 : i32
      %dma_wait3A_332 = tpu.memref_slice %arg10[%run_scoped3A_16, %dma_wait3A_331] : memref<4x128xi32, #tpu.memory_space<vmem>> -> memref<1x128xi32, #tpu.memory_space<vmem>>
      %dma_wait3A_333 = tpu.memref_squeeze %dma_wait3A_332 : memref<1x128xi32, #tpu.memory_space<vmem>> -> memref<128xi32, #tpu.memory_space<vmem>>
      %dma_wait3A_334 = tpu.memref_slice %arg2[%add3A_15] : memref<16384xi32, #tpu.memory_space<hbm>> -> memref<128xi32, #tpu.memory_space<hbm>>
      tpu.wait_dma2 semaphore(%run_scoped3A_318 : memref<!tpu.dma_semaphore, #tpu.memory_space<semaphore_mem>>) src(%dma_wait3A_334 : memref<128xi32, #tpu.memory_space<hbm>>) dst(%dma_wait3A_333 : memref<128xi32, #tpu.memory_space<vmem>>)
      tpu.yield
    }) : () -> ()
    %add3A_17 = arith.constant 256 : i32
    %add3A_18 = arith.addi %mul3A_2, %add3A_17 : i32
    %run_scoped3A_19 = arith.constant 2 : i32
    "tpu.region"() ({
      %run_scoped3A_318 = tpu.sem_alloc : memref<!tpu.dma_semaphore, #tpu.memory_space<semaphore_mem>>
      %dma_start3A_319 = arith.constant 0 : i32
      %dma_start3A_320 = tpu.memref_slice %arg11[%run_scoped3A_19, %dma_start3A_319] : memref<4x128xi32, #tpu.memory_space<vmem>> -> memref<1x128xi32, #tpu.memory_space<vmem>>
      %dma_start3A_321 = tpu.memref_squeeze %dma_start3A_320 : memref<1x128xi32, #tpu.memory_space<vmem>> -> memref<128xi32, #tpu.memory_space<vmem>>
      %dma_start3A_322 = tpu.memref_slice %arg3[%add3A_18] : memref<16384xi32, #tpu.memory_space<hbm>> -> memref<128xi32, #tpu.memory_space<hbm>>
      %dma_start3A_323 = arith.constant 0 : i32
      %dma_start3A_324 = tpu.memref_slice %arg11[%run_scoped3A_19, %dma_start3A_323] : memref<4x128xi32, #tpu.memory_space<vmem>> -> memref<1x128xi32, #tpu.memory_space<vmem>>
      %dma_start3A_325 = tpu.memref_squeeze %dma_start3A_324 : memref<1x128xi32, #tpu.memory_space<vmem>> -> memref<128xi32, #tpu.memory_space<vmem>>
      %dma_start3A_326 = tpu.memref_slice %arg3[%add3A_18] : memref<16384xi32, #tpu.memory_space<hbm>> -> memref<128xi32, #tpu.memory_space<hbm>>
      tpu.enqueue_dma source(%dma_start3A_326 : memref<128xi32, #tpu.memory_space<hbm>>) target(%dma_start3A_325 : memref<128xi32, #tpu.memory_space<vmem>>) target_semaphore(%run_scoped3A_318 : memref<!tpu.dma_semaphore, #tpu.memory_space<semaphore_mem>>)
      %dma_wait3A_327 = arith.constant 0 : i32
      %dma_wait3A_328 = tpu.memref_slice %arg11[%run_scoped3A_19, %dma_wait3A_327] : memref<4x128xi32, #tpu.memory_space<vmem>> -> memref<1x128xi32, #tpu.memory_space<vmem>>
      %dma_wait3A_329 = tpu.memref_squeeze %dma_wait3A_328 : memref<1x128xi32, #tpu.memory_space<vmem>> -> memref<128xi32, #tpu.memory_space<vmem>>
      %dma_wait3A_330 = tpu.memref_slice %arg3[%add3A_18] : memref<16384xi32, #tpu.memory_space<hbm>> -> memref<128xi32, #tpu.memory_space<hbm>>
      %dma_wait3A_331 = arith.constant 0 : i32
      %dma_wait3A_332 = tpu.memref_slice %arg11[%run_scoped3A_19, %dma_wait3A_331] : memref<4x128xi32, #tpu.memory_space<vmem>> -> memref<1x128xi32, #tpu.memory_space<vmem>>
      %dma_wait3A_333 = tpu.memref_squeeze %dma_wait3A_332 : memref<1x128xi32, #tpu.memory_space<vmem>> -> memref<128xi32, #tpu.memory_space<vmem>>
      %dma_wait3A_334 = tpu.memref_slice %arg3[%add3A_18] : memref<16384xi32, #tpu.memory_space<hbm>> -> memref<128xi32, #tpu.memory_space<hbm>>
      tpu.wait_dma2 semaphore(%run_scoped3A_318 : memref<!tpu.dma_semaphore, #tpu.memory_space<semaphore_mem>>) src(%dma_wait3A_334 : memref<128xi32, #tpu.memory_space<hbm>>) dst(%dma_wait3A_333 : memref<128xi32, #tpu.memory_space<vmem>>)
      tpu.yield
    }) : () -> ()
    %add3A_20 = arith.constant 384 : i32
    %add3A_21 = arith.addi %mul3A_2, %add3A_20 : i32
    %run_scoped3A_22 = arith.constant 3 : i32
    "tpu.region"() ({
      %run_scoped3A_318 = tpu.sem_alloc : memref<!tpu.dma_semaphore, #tpu.memory_space<semaphore_mem>>
      %dma_start3A_319 = arith.constant 0 : i32
      %dma_start3A_320 = tpu.memref_slice %arg10[%run_scoped3A_22, %dma_start3A_319] : memref<4x128xi32, #tpu.memory_space<vmem>> -> memref<1x128xi32, #tpu.memory_space<vmem>>
      %dma_start3A_321 = tpu.memref_squeeze %dma_start3A_320 : memref<1x128xi32, #tpu.memory_space<vmem>> -> memref<128xi32, #tpu.memory_space<vmem>>
      %dma_start3A_322 = tpu.memref_slice %arg2[%add3A_21] : memref<16384xi32, #tpu.memory_space<hbm>> -> memref<128xi32, #tpu.memory_space<hbm>>
      %dma_start3A_323 = arith.constant 0 : i32
      %dma_start3A_324 = tpu.memref_slice %arg10[%run_scoped3A_22, %dma_start3A_323] : memref<4x128xi32, #tpu.memory_space<vmem>> -> memref<1x128xi32, #tpu.memory_space<vmem>>
      %dma_start3A_325 = tpu.memref_squeeze %dma_start3A_324 : memref<1x128xi32, #tpu.memory_space<vmem>> -> memref<128xi32, #tpu.memory_space<vmem>>
      %dma_start3A_326 = tpu.memref_slice %arg2[%add3A_21] : memref<16384xi32, #tpu.memory_space<hbm>> -> memref<128xi32, #tpu.memory_space<hbm>>
      tpu.enqueue_dma source(%dma_start3A_326 : memref<128xi32, #tpu.memory_space<hbm>>) target(%dma_start3A_325 : memref<128xi32, #tpu.memory_space<vmem>>) target_semaphore(%run_scoped3A_318 : memref<!tpu.dma_semaphore, #tpu.memory_space<semaphore_mem>>)
      %dma_wait3A_327 = arith.constant 0 : i32
      %dma_wait3A_328 = tpu.memref_slice %arg10[%run_scoped3A_22, %dma_wait3A_327] : memref<4x128xi32, #tpu.memory_space<vmem>> -> memref<1x128xi32, #tpu.memory_space<vmem>>
      %dma_wait3A_329 = tpu.memref_squeeze %dma_wait3A_328 : memref<1x128xi32, #tpu.memory_space<vmem>> -> memref<128xi32, #tpu.memory_space<vmem>>
      %dma_wait3A_330 = tpu.memref_slice %arg2[%add3A_21] : memref<16384xi32, #tpu.memory_space<hbm>> -> memref<128xi32, #tpu.memory_space<hbm>>
      %dma_wait3A_331 = arith.constant 0 : i32
      %dma_wait3A_332 = tpu.memref_slice %arg10[%run_scoped3A_22, %dma_wait3A_331] : memref<4x128xi32, #tpu.memory_space<vmem>> -> memref<1x128xi32, #tpu.memory_space<vmem>>
      %dma_wait3A_333 = tpu.memref_squeeze %dma_wait3A_332 : memref<1x128xi32, #tpu.memory_space<vmem>> -> memref<128xi32, #tpu.memory_space<vmem>>
      %dma_wait3A_334 = tpu.memref_slice %arg2[%add3A_21] : memref<16384xi32, #tpu.memory_space<hbm>> -> memref<128xi32, #tpu.memory_space<hbm>>
      tpu.wait_dma2 semaphore(%run_scoped3A_318 : memref<!tpu.dma_semaphore, #tpu.memory_space<semaphore_mem>>) src(%dma_wait3A_334 : memref<128xi32, #tpu.memory_space<hbm>>) dst(%dma_wait3A_333 : memref<128xi32, #tpu.memory_space<vmem>>)
      tpu.yield
    }) : () -> ()
    %add3A_23 = arith.constant 384 : i32
    %add3A_24 = arith.addi %mul3A_2, %add3A_23 : i32
    %run_scoped3A_25 = arith.constant 3 : i32
    "tpu.region"() ({
      %run_scoped3A_318 = tpu.sem_alloc : memref<!tpu.dma_semaphore, #tpu.memory_space<semaphore_mem>>
      %dma_start3A_319 = arith.constant 0 : i32
      %dma_start3A_320 = tpu.memref_slice %arg11[%run_scoped3A_25, %dma_start3A_319] : memref<4x128xi32, #tpu.memory_space<vmem>> -> memref<1x128xi32, #tpu.memory_space<vmem>>
      %dma_start3A_321 = tpu.memref_squeeze %dma_start3A_320 : memref<1x128xi32, #tpu.memory_space<vmem>> -> memref<128xi32, #tpu.memory_space<vmem>>
      %dma_start3A_322 = tpu.memref_slice %arg3[%add3A_24] : memref<16384xi32, #tpu.memory_space<hbm>> -> memref<128xi32, #tpu.memory_space<hbm>>
      %dma_start3A_323 = arith.constant 0 : i32
      %dma_start3A_324 = tpu.memref_slice %arg11[%run_scoped3A_25, %dma_start3A_323] : memref<4x128xi32, #tpu.memory_space<vmem>> -> memref<1x128xi32, #tpu.memory_space<vmem>>
      %dma_start3A_325 = tpu.memref_squeeze %dma_start3A_324 : memref<1x128xi32, #tpu.memory_space<vmem>> -> memref<128xi32, #tpu.memory_space<vmem>>
      %dma_start3A_326 = tpu.memref_slice %arg3[%add3A_24] : memref<16384xi32, #tpu.memory_space<hbm>> -> memref<128xi32, #tpu.memory_space<hbm>>
      tpu.enqueue_dma source(%dma_start3A_326 : memref<128xi32, #tpu.memory_space<hbm>>) target(%dma_start3A_325 : memref<128xi32, #tpu.memory_space<vmem>>) target_semaphore(%run_scoped3A_318 : memref<!tpu.dma_semaphore, #tpu.memory_space<semaphore_mem>>)
      %dma_wait3A_327 = arith.constant 0 : i32
      %dma_wait3A_328 = tpu.memref_slice %arg11[%run_scoped3A_25, %dma_wait3A_327] : memref<4x128xi32, #tpu.memory_space<vmem>> -> memref<1x128xi32, #tpu.memory_space<vmem>>
      %dma_wait3A_329 = tpu.memref_squeeze %dma_wait3A_328 : memref<1x128xi32, #tpu.memory_space<vmem>> -> memref<128xi32, #tpu.memory_space<vmem>>
      %dma_wait3A_330 = tpu.memref_slice %arg3[%add3A_24] : memref<16384xi32, #tpu.memory_space<hbm>> -> memref<128xi32, #tpu.memory_space<hbm>>
      %dma_wait3A_331 = arith.constant 0 : i32
      %dma_wait3A_332 = tpu.memref_slice %arg11[%run_scoped3A_25, %dma_wait3A_331] : memref<4x128xi32, #tpu.memory_space<vmem>> -> memref<1x128xi32, #tpu.memory_space<vmem>>
      %dma_wait3A_333 = tpu.memref_squeeze %dma_wait3A_332 : memref<1x128xi32, #tpu.memory_space<vmem>> -> memref<128xi32, #tpu.memory_space<vmem>>
      %dma_wait3A_334 = tpu.memref_slice %arg3[%add3A_24] : memref<16384xi32, #tpu.memory_space<hbm>> -> memref<128xi32, #tpu.memory_space<hbm>>
      tpu.wait_dma2 semaphore(%run_scoped3A_318 : memref<!tpu.dma_semaphore, #tpu.memory_space<semaphore_mem>>) src(%dma_wait3A_334 : memref<128xi32, #tpu.memory_space<hbm>>) dst(%dma_wait3A_333 : memref<128xi32, #tpu.memory_space<vmem>>)
      tpu.yield
    }) : () -> ()
    "tpu.region"() ({
      %run_scoped3A_318 = tpu.sem_alloc : memref<!tpu.dma_semaphore, #tpu.memory_space<semaphore_mem>>
      tpu.enqueue_dma source(%arg8 : memref<16xf32, #tpu.memory_space<hbm>>) target(%arg16 : memref<16xf32, #tpu.memory_space<vmem>>) target_semaphore(%run_scoped3A_318 : memref<!tpu.dma_semaphore, #tpu.memory_space<semaphore_mem>>)
      tpu.wait_dma2 semaphore(%run_scoped3A_318 : memref<!tpu.dma_semaphore, #tpu.memory_space<semaphore_mem>>) src(%arg8 : memref<16xf32, #tpu.memory_space<hbm>>) dst(%arg16 : memref<16xf32, #tpu.memory_space<vmem>>)
      tpu.yield
    }) : () -> ()
    %dma_start3A = arith.constant 0 : i32
    %dma_start3A_26 = arith.constant 0 : i32
    %dma_start3A_27 = arith.constant 0 : i32
    %dma_start3A_28 = tpu.memref_slice %arg12[%dma_start3A_26, %dma_start3A_27] : memref<512x64xf32, #tpu.memory_space<vmem>> -> memref<128x64xf32, #tpu.memory_space<vmem>>
    %dma_start3A_29 = arith.constant 0 : i32
    %dma_start3A_30 = tpu.memref_slice %arg10[%dma_start3A, %dma_start3A_29] : memref<4x128xi32, #tpu.memory_space<vmem>> -> memref<1x128xi32, #tpu.memory_space<vmem>>
    %dma_start3A_31 = tpu.memref_squeeze %dma_start3A_30 : memref<1x128xi32, #tpu.memory_space<vmem>> -> memref<128xi32, #tpu.memory_space<vmem>>
    %dma_start3A_32 = arith.constant 0 : i32
    %dma_start3A_33 = arith.constant 0 : i32
    %dma_start3A_34 = tpu.memref_slice %arg4[%dma_start3A_32, %dma_start3A_33] : memref<1000000x64xf32, #tpu.memory_space<hbm>> -> memref<1000000x64xf32, #tpu.memory_space<hbm>>
    tpu.enqueue_indirect_dma source(%dma_start3A_34 : memref<1000000x64xf32, #tpu.memory_space<hbm>>) target(%dma_start3A_28 : memref<128x64xf32, #tpu.memory_space<vmem>>) offsets(%dma_start3A_31 : memref<128xi32, #tpu.memory_space<vmem>>) semaphore(%arg18 : memref<!tpu.dma_semaphore, #tpu.memory_space<semaphore_mem>>)
    %dma_start3A_35 = arith.constant 0 : i32
    %dma_start3A_36 = arith.constant 0 : i32
    %dma_start3A_37 = arith.constant 0 : i32
    %dma_start3A_38 = tpu.memref_slice %arg13[%dma_start3A_36, %dma_start3A_37] : memref<512x64xf32, #tpu.memory_space<vmem>> -> memref<128x64xf32, #tpu.memory_space<vmem>>
    %dma_start3A_39 = arith.constant 0 : i32
    %dma_start3A_40 = tpu.memref_slice %arg11[%dma_start3A_35, %dma_start3A_39] : memref<4x128xi32, #tpu.memory_space<vmem>> -> memref<1x128xi32, #tpu.memory_space<vmem>>
    %dma_start3A_41 = tpu.memref_squeeze %dma_start3A_40 : memref<1x128xi32, #tpu.memory_space<vmem>> -> memref<128xi32, #tpu.memory_space<vmem>>
    %dma_start3A_42 = arith.constant 0 : i32
    %dma_start3A_43 = arith.constant 0 : i32
    %dma_start3A_44 = tpu.memref_slice %arg5[%dma_start3A_42, %dma_start3A_43] : memref<1000000x64xf32, #tpu.memory_space<hbm>> -> memref<1000000x64xf32, #tpu.memory_space<hbm>>
    tpu.enqueue_indirect_dma source(%dma_start3A_44 : memref<1000000x64xf32, #tpu.memory_space<hbm>>) target(%dma_start3A_38 : memref<128x64xf32, #tpu.memory_space<vmem>>) offsets(%dma_start3A_41 : memref<128xi32, #tpu.memory_space<vmem>>) semaphore(%arg18 : memref<!tpu.dma_semaphore, #tpu.memory_space<semaphore_mem>>)
    %dma_start3A_45 = arith.constant 0 : i32
    %dma_start3A_46 = arith.constant 0 : i32
    %dma_start3A_47 = tpu.memref_slice %arg14[%dma_start3A_46] : memref<512xf32, #tpu.memory_space<vmem>> -> memref<128xf32, #tpu.memory_space<vmem>>
    %dma_start3A_48 = arith.constant 0 : i32
    %dma_start3A_49 = tpu.memref_slice %arg10[%dma_start3A_45, %dma_start3A_48] : memref<4x128xi32, #tpu.memory_space<vmem>> -> memref<1x128xi32, #tpu.memory_space<vmem>>
    %dma_start3A_50 = tpu.memref_squeeze %dma_start3A_49 : memref<1x128xi32, #tpu.memory_space<vmem>> -> memref<128xi32, #tpu.memory_space<vmem>>
    %dma_start3A_51 = arith.constant 0 : i32
    %dma_start3A_52 = tpu.memref_slice %arg6[%dma_start3A_51] : memref<1000000xf32, #tpu.memory_space<hbm>> -> memref<1000000xf32, #tpu.memory_space<hbm>>
    tpu.enqueue_indirect_dma source(%dma_start3A_52 : memref<1000000xf32, #tpu.memory_space<hbm>>) target(%dma_start3A_47 : memref<128xf32, #tpu.memory_space<vmem>>) offsets(%dma_start3A_50 : memref<128xi32, #tpu.memory_space<vmem>>) semaphore(%arg18 : memref<!tpu.dma_semaphore, #tpu.memory_space<semaphore_mem>>)
    %dma_start3A_53 = arith.constant 0 : i32
    %dma_start3A_54 = arith.constant 0 : i32
    %dma_start3A_55 = tpu.memref_slice %arg15[%dma_start3A_54] : memref<512xf32, #tpu.memory_space<vmem>> -> memref<128xf32, #tpu.memory_space<vmem>>
    %dma_start3A_56 = arith.constant 0 : i32
    %dma_start3A_57 = tpu.memref_slice %arg11[%dma_start3A_53, %dma_start3A_56] : memref<4x128xi32, #tpu.memory_space<vmem>> -> memref<1x128xi32, #tpu.memory_space<vmem>>
    %dma_start3A_58 = tpu.memref_squeeze %dma_start3A_57 : memref<1x128xi32, #tpu.memory_space<vmem>> -> memref<128xi32, #tpu.memory_space<vmem>>
    %dma_start3A_59 = arith.constant 0 : i32
    %dma_start3A_60 = tpu.memref_slice %arg7[%dma_start3A_59] : memref<1000000xf32, #tpu.memory_space<hbm>> -> memref<1000000xf32, #tpu.memory_space<hbm>>
    tpu.enqueue_indirect_dma source(%dma_start3A_60 : memref<1000000xf32, #tpu.memory_space<hbm>>) target(%dma_start3A_55 : memref<128xf32, #tpu.memory_space<vmem>>) offsets(%dma_start3A_58 : memref<128xi32, #tpu.memory_space<vmem>>) semaphore(%arg18 : memref<!tpu.dma_semaphore, #tpu.memory_space<semaphore_mem>>)
    %dma_start3A_61 = arith.constant 1 : i32
    %dma_start3A_62 = arith.constant 128 : i32
    %dma_start3A_63 = arith.constant 0 : i32
    %dma_start3A_64 = tpu.memref_slice %arg12[%dma_start3A_62, %dma_start3A_63] : memref<512x64xf32, #tpu.memory_space<vmem>> -> memref<128x64xf32, #tpu.memory_space<vmem>>
    %dma_start3A_65 = arith.constant 0 : i32
    %dma_start3A_66 = tpu.memref_slice %arg10[%dma_start3A_61, %dma_start3A_65] : memref<4x128xi32, #tpu.memory_space<vmem>> -> memref<1x128xi32, #tpu.memory_space<vmem>>
    %dma_start3A_67 = tpu.memref_squeeze %dma_start3A_66 : memref<1x128xi32, #tpu.memory_space<vmem>> -> memref<128xi32, #tpu.memory_space<vmem>>
    %dma_start3A_68 = arith.constant 0 : i32
    %dma_start3A_69 = arith.constant 0 : i32
    %dma_start3A_70 = tpu.memref_slice %arg4[%dma_start3A_68, %dma_start3A_69] : memref<1000000x64xf32, #tpu.memory_space<hbm>> -> memref<1000000x64xf32, #tpu.memory_space<hbm>>
    tpu.enqueue_indirect_dma source(%dma_start3A_70 : memref<1000000x64xf32, #tpu.memory_space<hbm>>) target(%dma_start3A_64 : memref<128x64xf32, #tpu.memory_space<vmem>>) offsets(%dma_start3A_67 : memref<128xi32, #tpu.memory_space<vmem>>) semaphore(%arg18 : memref<!tpu.dma_semaphore, #tpu.memory_space<semaphore_mem>>)
    %dma_start3A_71 = arith.constant 1 : i32
    %dma_start3A_72 = arith.constant 128 : i32
    %dma_start3A_73 = arith.constant 0 : i32
    %dma_start3A_74 = tpu.memref_slice %arg13[%dma_start3A_72, %dma_start3A_73] : memref<512x64xf32, #tpu.memory_space<vmem>> -> memref<128x64xf32, #tpu.memory_space<vmem>>
    %dma_start3A_75 = arith.constant 0 : i32
    %dma_start3A_76 = tpu.memref_slice %arg11[%dma_start3A_71, %dma_start3A_75] : memref<4x128xi32, #tpu.memory_space<vmem>> -> memref<1x128xi32, #tpu.memory_space<vmem>>
    %dma_start3A_77 = tpu.memref_squeeze %dma_start3A_76 : memref<1x128xi32, #tpu.memory_space<vmem>> -> memref<128xi32, #tpu.memory_space<vmem>>
    %dma_start3A_78 = arith.constant 0 : i32
    %dma_start3A_79 = arith.constant 0 : i32
    %dma_start3A_80 = tpu.memref_slice %arg5[%dma_start3A_78, %dma_start3A_79] : memref<1000000x64xf32, #tpu.memory_space<hbm>> -> memref<1000000x64xf32, #tpu.memory_space<hbm>>
    tpu.enqueue_indirect_dma source(%dma_start3A_80 : memref<1000000x64xf32, #tpu.memory_space<hbm>>) target(%dma_start3A_74 : memref<128x64xf32, #tpu.memory_space<vmem>>) offsets(%dma_start3A_77 : memref<128xi32, #tpu.memory_space<vmem>>) semaphore(%arg18 : memref<!tpu.dma_semaphore, #tpu.memory_space<semaphore_mem>>)
    %dma_start3A_81 = arith.constant 1 : i32
    %dma_start3A_82 = arith.constant 128 : i32
    %dma_start3A_83 = tpu.memref_slice %arg14[%dma_start3A_82] : memref<512xf32, #tpu.memory_space<vmem>> -> memref<128xf32, #tpu.memory_space<vmem>>
    %dma_start3A_84 = arith.constant 0 : i32
    %dma_start3A_85 = tpu.memref_slice %arg10[%dma_start3A_81, %dma_start3A_84] : memref<4x128xi32, #tpu.memory_space<vmem>> -> memref<1x128xi32, #tpu.memory_space<vmem>>
    %dma_start3A_86 = tpu.memref_squeeze %dma_start3A_85 : memref<1x128xi32, #tpu.memory_space<vmem>> -> memref<128xi32, #tpu.memory_space<vmem>>
    %dma_start3A_87 = arith.constant 0 : i32
    %dma_start3A_88 = tpu.memref_slice %arg6[%dma_start3A_87] : memref<1000000xf32, #tpu.memory_space<hbm>> -> memref<1000000xf32, #tpu.memory_space<hbm>>
    tpu.enqueue_indirect_dma source(%dma_start3A_88 : memref<1000000xf32, #tpu.memory_space<hbm>>) target(%dma_start3A_83 : memref<128xf32, #tpu.memory_space<vmem>>) offsets(%dma_start3A_86 : memref<128xi32, #tpu.memory_space<vmem>>) semaphore(%arg18 : memref<!tpu.dma_semaphore, #tpu.memory_space<semaphore_mem>>)
    %dma_start3A_89 = arith.constant 1 : i32
    %dma_start3A_90 = arith.constant 128 : i32
    %dma_start3A_91 = tpu.memref_slice %arg15[%dma_start3A_90] : memref<512xf32, #tpu.memory_space<vmem>> -> memref<128xf32, #tpu.memory_space<vmem>>
    %dma_start3A_92 = arith.constant 0 : i32
    %dma_start3A_93 = tpu.memref_slice %arg11[%dma_start3A_89, %dma_start3A_92] : memref<4x128xi32, #tpu.memory_space<vmem>> -> memref<1x128xi32, #tpu.memory_space<vmem>>
    %dma_start3A_94 = tpu.memref_squeeze %dma_start3A_93 : memref<1x128xi32, #tpu.memory_space<vmem>> -> memref<128xi32, #tpu.memory_space<vmem>>
    %dma_start3A_95 = arith.constant 0 : i32
    %dma_start3A_96 = tpu.memref_slice %arg7[%dma_start3A_95] : memref<1000000xf32, #tpu.memory_space<hbm>> -> memref<1000000xf32, #tpu.memory_space<hbm>>
    tpu.enqueue_indirect_dma source(%dma_start3A_96 : memref<1000000xf32, #tpu.memory_space<hbm>>) target(%dma_start3A_91 : memref<128xf32, #tpu.memory_space<vmem>>) offsets(%dma_start3A_94 : memref<128xi32, #tpu.memory_space<vmem>>) semaphore(%arg18 : memref<!tpu.dma_semaphore, #tpu.memory_space<semaphore_mem>>)
    %dma_start3A_97 = arith.constant 2 : i32
    %dma_start3A_98 = arith.constant 256 : i32
    %dma_start3A_99 = arith.constant 0 : i32
    %dma_start3A_100 = tpu.memref_slice %arg12[%dma_start3A_98, %dma_start3A_99] : memref<512x64xf32, #tpu.memory_space<vmem>> -> memref<128x64xf32, #tpu.memory_space<vmem>>
    %dma_start3A_101 = arith.constant 0 : i32
    %dma_start3A_102 = tpu.memref_slice %arg10[%dma_start3A_97, %dma_start3A_101] : memref<4x128xi32, #tpu.memory_space<vmem>> -> memref<1x128xi32, #tpu.memory_space<vmem>>
    %dma_start3A_103 = tpu.memref_squeeze %dma_start3A_102 : memref<1x128xi32, #tpu.memory_space<vmem>> -> memref<128xi32, #tpu.memory_space<vmem>>
    %dma_start3A_104 = arith.constant 0 : i32
    %dma_start3A_105 = arith.constant 0 : i32
    %dma_start3A_106 = tpu.memref_slice %arg4[%dma_start3A_104, %dma_start3A_105] : memref<1000000x64xf32, #tpu.memory_space<hbm>> -> memref<1000000x64xf32, #tpu.memory_space<hbm>>
    tpu.enqueue_indirect_dma source(%dma_start3A_106 : memref<1000000x64xf32, #tpu.memory_space<hbm>>) target(%dma_start3A_100 : memref<128x64xf32, #tpu.memory_space<vmem>>) offsets(%dma_start3A_103 : memref<128xi32, #tpu.memory_space<vmem>>) semaphore(%arg18 : memref<!tpu.dma_semaphore, #tpu.memory_space<semaphore_mem>>)
    %dma_start3A_107 = arith.constant 2 : i32
    %dma_start3A_108 = arith.constant 256 : i32
    %dma_start3A_109 = arith.constant 0 : i32
    %dma_start3A_110 = tpu.memref_slice %arg13[%dma_start3A_108, %dma_start3A_109] : memref<512x64xf32, #tpu.memory_space<vmem>> -> memref<128x64xf32, #tpu.memory_space<vmem>>
    %dma_start3A_111 = arith.constant 0 : i32
    %dma_start3A_112 = tpu.memref_slice %arg11[%dma_start3A_107, %dma_start3A_111] : memref<4x128xi32, #tpu.memory_space<vmem>> -> memref<1x128xi32, #tpu.memory_space<vmem>>
    %dma_start3A_113 = tpu.memref_squeeze %dma_start3A_112 : memref<1x128xi32, #tpu.memory_space<vmem>> -> memref<128xi32, #tpu.memory_space<vmem>>
    %dma_start3A_114 = arith.constant 0 : i32
    %dma_start3A_115 = arith.constant 0 : i32
    %dma_start3A_116 = tpu.memref_slice %arg5[%dma_start3A_114, %dma_start3A_115] : memref<1000000x64xf32, #tpu.memory_space<hbm>> -> memref<1000000x64xf32, #tpu.memory_space<hbm>>
    tpu.enqueue_indirect_dma source(%dma_start3A_116 : memref<1000000x64xf32, #tpu.memory_space<hbm>>) target(%dma_start3A_110 : memref<128x64xf32, #tpu.memory_space<vmem>>) offsets(%dma_start3A_113 : memref<128xi32, #tpu.memory_space<vmem>>) semaphore(%arg18 : memref<!tpu.dma_semaphore, #tpu.memory_space<semaphore_mem>>)
    %dma_start3A_117 = arith.constant 2 : i32
    %dma_start3A_118 = arith.constant 256 : i32
    %dma_start3A_119 = tpu.memref_slice %arg14[%dma_start3A_118] : memref<512xf32, #tpu.memory_space<vmem>> -> memref<128xf32, #tpu.memory_space<vmem>>
    %dma_start3A_120 = arith.constant 0 : i32
    %dma_start3A_121 = tpu.memref_slice %arg10[%dma_start3A_117, %dma_start3A_120] : memref<4x128xi32, #tpu.memory_space<vmem>> -> memref<1x128xi32, #tpu.memory_space<vmem>>
    %dma_start3A_122 = tpu.memref_squeeze %dma_start3A_121 : memref<1x128xi32, #tpu.memory_space<vmem>> -> memref<128xi32, #tpu.memory_space<vmem>>
    %dma_start3A_123 = arith.constant 0 : i32
    %dma_start3A_124 = tpu.memref_slice %arg6[%dma_start3A_123] : memref<1000000xf32, #tpu.memory_space<hbm>> -> memref<1000000xf32, #tpu.memory_space<hbm>>
    tpu.enqueue_indirect_dma source(%dma_start3A_124 : memref<1000000xf32, #tpu.memory_space<hbm>>) target(%dma_start3A_119 : memref<128xf32, #tpu.memory_space<vmem>>) offsets(%dma_start3A_122 : memref<128xi32, #tpu.memory_space<vmem>>) semaphore(%arg18 : memref<!tpu.dma_semaphore, #tpu.memory_space<semaphore_mem>>)
    %dma_start3A_125 = arith.constant 2 : i32
    %dma_start3A_126 = arith.constant 256 : i32
    %dma_start3A_127 = tpu.memref_slice %arg15[%dma_start3A_126] : memref<512xf32, #tpu.memory_space<vmem>> -> memref<128xf32, #tpu.memory_space<vmem>>
    %dma_start3A_128 = arith.constant 0 : i32
    %dma_start3A_129 = tpu.memref_slice %arg11[%dma_start3A_125, %dma_start3A_128] : memref<4x128xi32, #tpu.memory_space<vmem>> -> memref<1x128xi32, #tpu.memory_space<vmem>>
    %dma_start3A_130 = tpu.memref_squeeze %dma_start3A_129 : memref<1x128xi32, #tpu.memory_space<vmem>> -> memref<128xi32, #tpu.memory_space<vmem>>
    %dma_start3A_131 = arith.constant 0 : i32
    %dma_start3A_132 = tpu.memref_slice %arg7[%dma_start3A_131] : memref<1000000xf32, #tpu.memory_space<hbm>> -> memref<1000000xf32, #tpu.memory_space<hbm>>
    tpu.enqueue_indirect_dma source(%dma_start3A_132 : memref<1000000xf32, #tpu.memory_space<hbm>>) target(%dma_start3A_127 : memref<128xf32, #tpu.memory_space<vmem>>) offsets(%dma_start3A_130 : memref<128xi32, #tpu.memory_space<vmem>>) semaphore(%arg18 : memref<!tpu.dma_semaphore, #tpu.memory_space<semaphore_mem>>)
    %dma_start3A_133 = arith.constant 3 : i32
    %dma_start3A_134 = arith.constant 384 : i32
    %dma_start3A_135 = arith.constant 0 : i32
    %dma_start3A_136 = tpu.memref_slice %arg12[%dma_start3A_134, %dma_start3A_135] : memref<512x64xf32, #tpu.memory_space<vmem>> -> memref<128x64xf32, #tpu.memory_space<vmem>>
    %dma_start3A_137 = arith.constant 0 : i32
    %dma_start3A_138 = tpu.memref_slice %arg10[%dma_start3A_133, %dma_start3A_137] : memref<4x128xi32, #tpu.memory_space<vmem>> -> memref<1x128xi32, #tpu.memory_space<vmem>>
    %dma_start3A_139 = tpu.memref_squeeze %dma_start3A_138 : memref<1x128xi32, #tpu.memory_space<vmem>> -> memref<128xi32, #tpu.memory_space<vmem>>
    %dma_start3A_140 = arith.constant 0 : i32
    %dma_start3A_141 = arith.constant 0 : i32
    %dma_start3A_142 = tpu.memref_slice %arg4[%dma_start3A_140, %dma_start3A_141] : memref<1000000x64xf32, #tpu.memory_space<hbm>> -> memref<1000000x64xf32, #tpu.memory_space<hbm>>
    tpu.enqueue_indirect_dma source(%dma_start3A_142 : memref<1000000x64xf32, #tpu.memory_space<hbm>>) target(%dma_start3A_136 : memref<128x64xf32, #tpu.memory_space<vmem>>) offsets(%dma_start3A_139 : memref<128xi32, #tpu.memory_space<vmem>>) semaphore(%arg18 : memref<!tpu.dma_semaphore, #tpu.memory_space<semaphore_mem>>)
    %dma_start3A_143 = arith.constant 3 : i32
    %dma_start3A_144 = arith.constant 384 : i32
    %dma_start3A_145 = arith.constant 0 : i32
    %dma_start3A_146 = tpu.memref_slice %arg13[%dma_start3A_144, %dma_start3A_145] : memref<512x64xf32, #tpu.memory_space<vmem>> -> memref<128x64xf32, #tpu.memory_space<vmem>>
    %dma_start3A_147 = arith.constant 0 : i32
    %dma_start3A_148 = tpu.memref_slice %arg11[%dma_start3A_143, %dma_start3A_147] : memref<4x128xi32, #tpu.memory_space<vmem>> -> memref<1x128xi32, #tpu.memory_space<vmem>>
    %dma_start3A_149 = tpu.memref_squeeze %dma_start3A_148 : memref<1x128xi32, #tpu.memory_space<vmem>> -> memref<128xi32, #tpu.memory_space<vmem>>
    %dma_start3A_150 = arith.constant 0 : i32
    %dma_start3A_151 = arith.constant 0 : i32
    %dma_start3A_152 = tpu.memref_slice %arg5[%dma_start3A_150, %dma_start3A_151] : memref<1000000x64xf32, #tpu.memory_space<hbm>> -> memref<1000000x64xf32, #tpu.memory_space<hbm>>
    tpu.enqueue_indirect_dma source(%dma_start3A_152 : memref<1000000x64xf32, #tpu.memory_space<hbm>>) target(%dma_start3A_146 : memref<128x64xf32, #tpu.memory_space<vmem>>) offsets(%dma_start3A_149 : memref<128xi32, #tpu.memory_space<vmem>>) semaphore(%arg18 : memref<!tpu.dma_semaphore, #tpu.memory_space<semaphore_mem>>)
    %dma_start3A_153 = arith.constant 3 : i32
    %dma_start3A_154 = arith.constant 384 : i32
    %dma_start3A_155 = tpu.memref_slice %arg14[%dma_start3A_154] : memref<512xf32, #tpu.memory_space<vmem>> -> memref<128xf32, #tpu.memory_space<vmem>>
    %dma_start3A_156 = arith.constant 0 : i32
    %dma_start3A_157 = tpu.memref_slice %arg10[%dma_start3A_153, %dma_start3A_156] : memref<4x128xi32, #tpu.memory_space<vmem>> -> memref<1x128xi32, #tpu.memory_space<vmem>>
    %dma_start3A_158 = tpu.memref_squeeze %dma_start3A_157 : memref<1x128xi32, #tpu.memory_space<vmem>> -> memref<128xi32, #tpu.memory_space<vmem>>
    %dma_start3A_159 = arith.constant 0 : i32
    %dma_start3A_160 = tpu.memref_slice %arg6[%dma_start3A_159] : memref<1000000xf32, #tpu.memory_space<hbm>> -> memref<1000000xf32, #tpu.memory_space<hbm>>
    tpu.enqueue_indirect_dma source(%dma_start3A_160 : memref<1000000xf32, #tpu.memory_space<hbm>>) target(%dma_start3A_155 : memref<128xf32, #tpu.memory_space<vmem>>) offsets(%dma_start3A_158 : memref<128xi32, #tpu.memory_space<vmem>>) semaphore(%arg18 : memref<!tpu.dma_semaphore, #tpu.memory_space<semaphore_mem>>)
    %dma_start3A_161 = arith.constant 3 : i32
    %dma_start3A_162 = arith.constant 384 : i32
    %dma_start3A_163 = tpu.memref_slice %arg15[%dma_start3A_162] : memref<512xf32, #tpu.memory_space<vmem>> -> memref<128xf32, #tpu.memory_space<vmem>>
    %dma_start3A_164 = arith.constant 0 : i32
    %dma_start3A_165 = tpu.memref_slice %arg11[%dma_start3A_161, %dma_start3A_164] : memref<4x128xi32, #tpu.memory_space<vmem>> -> memref<1x128xi32, #tpu.memory_space<vmem>>
    %dma_start3A_166 = tpu.memref_squeeze %dma_start3A_165 : memref<1x128xi32, #tpu.memory_space<vmem>> -> memref<128xi32, #tpu.memory_space<vmem>>
    %dma_start3A_167 = arith.constant 0 : i32
    %dma_start3A_168 = tpu.memref_slice %arg7[%dma_start3A_167] : memref<1000000xf32, #tpu.memory_space<hbm>> -> memref<1000000xf32, #tpu.memory_space<hbm>>
    tpu.enqueue_indirect_dma source(%dma_start3A_168 : memref<1000000xf32, #tpu.memory_space<hbm>>) target(%dma_start3A_163 : memref<128xf32, #tpu.memory_space<vmem>>) offsets(%dma_start3A_166 : memref<128xi32, #tpu.memory_space<vmem>>) semaphore(%arg18 : memref<!tpu.dma_semaphore, #tpu.memory_space<semaphore_mem>>)
    %dma_wait3A = arith.constant 0 : i32
    %dma_wait3A_169 = arith.constant 0 : i32
    %dma_wait3A_170 = arith.constant 0 : i32
    %dma_wait3A_171 = tpu.memref_slice %arg12[%dma_wait3A_169, %dma_wait3A_170] : memref<512x64xf32, #tpu.memory_space<vmem>> -> memref<128x64xf32, #tpu.memory_space<vmem>>
    %dma_wait3A_172 = arith.constant 0 : i32
    %dma_wait3A_173 = tpu.memref_slice %arg10[%dma_wait3A, %dma_wait3A_172] : memref<4x128xi32, #tpu.memory_space<vmem>> -> memref<1x128xi32, #tpu.memory_space<vmem>>
    %dma_wait3A_174 = tpu.memref_squeeze %dma_wait3A_173 : memref<1x128xi32, #tpu.memory_space<vmem>> -> memref<128xi32, #tpu.memory_space<vmem>>
    %dma_wait3A_175 = arith.constant 0 : i32
    %dma_wait3A_176 = arith.constant 0 : i32
    %dma_wait3A_177 = tpu.memref_slice %arg4[%dma_wait3A_175, %dma_wait3A_176] : memref<1000000x64xf32, #tpu.memory_space<hbm>> -> memref<1000000x64xf32, #tpu.memory_space<hbm>>
    tpu.wait_indirect_dma semaphore(%arg18 : memref<!tpu.dma_semaphore, #tpu.memory_space<semaphore_mem>>) src(%dma_wait3A_177 : memref<1000000x64xf32, #tpu.memory_space<hbm>>) dst(%dma_wait3A_171 : memref<128x64xf32, #tpu.memory_space<vmem>>)
    %dma_wait3A_178 = arith.constant 0 : i32
    %dma_wait3A_179 = arith.constant 0 : i32
    %dma_wait3A_180 = arith.constant 0 : i32
    %dma_wait3A_181 = tpu.memref_slice %arg13[%dma_wait3A_179, %dma_wait3A_180] : memref<512x64xf32, #tpu.memory_space<vmem>> -> memref<128x64xf32, #tpu.memory_space<vmem>>
    %dma_wait3A_182 = arith.constant 0 : i32
    %dma_wait3A_183 = tpu.memref_slice %arg11[%dma_wait3A_178, %dma_wait3A_182] : memref<4x128xi32, #tpu.memory_space<vmem>> -> memref<1x128xi32, #tpu.memory_space<vmem>>
    %dma_wait3A_184 = tpu.memref_squeeze %dma_wait3A_183 : memref<1x128xi32, #tpu.memory_space<vmem>> -> memref<128xi32, #tpu.memory_space<vmem>>
    %dma_wait3A_185 = arith.constant 0 : i32
    %dma_wait3A_186 = arith.constant 0 : i32
    %dma_wait3A_187 = tpu.memref_slice %arg5[%dma_wait3A_185, %dma_wait3A_186] : memref<1000000x64xf32, #tpu.memory_space<hbm>> -> memref<1000000x64xf32, #tpu.memory_space<hbm>>
    tpu.wait_indirect_dma semaphore(%arg18 : memref<!tpu.dma_semaphore, #tpu.memory_space<semaphore_mem>>) src(%dma_wait3A_187 : memref<1000000x64xf32, #tpu.memory_space<hbm>>) dst(%dma_wait3A_181 : memref<128x64xf32, #tpu.memory_space<vmem>>)
    %dma_wait3A_188 = arith.constant 0 : i32
    %dma_wait3A_189 = arith.constant 0 : i32
    %dma_wait3A_190 = tpu.memref_slice %arg14[%dma_wait3A_189] : memref<512xf32, #tpu.memory_space<vmem>> -> memref<128xf32, #tpu.memory_space<vmem>>
    %dma_wait3A_191 = arith.constant 0 : i32
    %dma_wait3A_192 = tpu.memref_slice %arg10[%dma_wait3A_188, %dma_wait3A_191] : memref<4x128xi32, #tpu.memory_space<vmem>> -> memref<1x128xi32, #tpu.memory_space<vmem>>
    %dma_wait3A_193 = tpu.memref_squeeze %dma_wait3A_192 : memref<1x128xi32, #tpu.memory_space<vmem>> -> memref<128xi32, #tpu.memory_space<vmem>>
    %dma_wait3A_194 = arith.constant 0 : i32
    %dma_wait3A_195 = tpu.memref_slice %arg6[%dma_wait3A_194] : memref<1000000xf32, #tpu.memory_space<hbm>> -> memref<1000000xf32, #tpu.memory_space<hbm>>
    tpu.wait_indirect_dma semaphore(%arg18 : memref<!tpu.dma_semaphore, #tpu.memory_space<semaphore_mem>>) src(%dma_wait3A_195 : memref<1000000xf32, #tpu.memory_space<hbm>>) dst(%dma_wait3A_190 : memref<128xf32, #tpu.memory_space<vmem>>)
    %dma_wait3A_196 = arith.constant 0 : i32
    %dma_wait3A_197 = arith.constant 0 : i32
    %dma_wait3A_198 = tpu.memref_slice %arg15[%dma_wait3A_197] : memref<512xf32, #tpu.memory_space<vmem>> -> memref<128xf32, #tpu.memory_space<vmem>>
    %dma_wait3A_199 = arith.constant 0 : i32
    %dma_wait3A_200 = tpu.memref_slice %arg11[%dma_wait3A_196, %dma_wait3A_199] : memref<4x128xi32, #tpu.memory_space<vmem>> -> memref<1x128xi32, #tpu.memory_space<vmem>>
    %dma_wait3A_201 = tpu.memref_squeeze %dma_wait3A_200 : memref<1x128xi32, #tpu.memory_space<vmem>> -> memref<128xi32, #tpu.memory_space<vmem>>
    %dma_wait3A_202 = arith.constant 0 : i32
    %dma_wait3A_203 = tpu.memref_slice %arg7[%dma_wait3A_202] : memref<1000000xf32, #tpu.memory_space<hbm>> -> memref<1000000xf32, #tpu.memory_space<hbm>>
    tpu.wait_indirect_dma semaphore(%arg18 : memref<!tpu.dma_semaphore, #tpu.memory_space<semaphore_mem>>) src(%dma_wait3A_203 : memref<1000000xf32, #tpu.memory_space<hbm>>) dst(%dma_wait3A_198 : memref<128xf32, #tpu.memory_space<vmem>>)
    %dma_wait3A_204 = arith.constant 1 : i32
    %dma_wait3A_205 = arith.constant 128 : i32
    %dma_wait3A_206 = arith.constant 0 : i32
    %dma_wait3A_207 = tpu.memref_slice %arg12[%dma_wait3A_205, %dma_wait3A_206] : memref<512x64xf32, #tpu.memory_space<vmem>> -> memref<128x64xf32, #tpu.memory_space<vmem>>
    %dma_wait3A_208 = arith.constant 0 : i32
    %dma_wait3A_209 = tpu.memref_slice %arg10[%dma_wait3A_204, %dma_wait3A_208] : memref<4x128xi32, #tpu.memory_space<vmem>> -> memref<1x128xi32, #tpu.memory_space<vmem>>
    %dma_wait3A_210 = tpu.memref_squeeze %dma_wait3A_209 : memref<1x128xi32, #tpu.memory_space<vmem>> -> memref<128xi32, #tpu.memory_space<vmem>>
    %dma_wait3A_211 = arith.constant 0 : i32
    %dma_wait3A_212 = arith.constant 0 : i32
    %dma_wait3A_213 = tpu.memref_slice %arg4[%dma_wait3A_211, %dma_wait3A_212] : memref<1000000x64xf32, #tpu.memory_space<hbm>> -> memref<1000000x64xf32, #tpu.memory_space<hbm>>
    tpu.wait_indirect_dma semaphore(%arg18 : memref<!tpu.dma_semaphore, #tpu.memory_space<semaphore_mem>>) src(%dma_wait3A_213 : memref<1000000x64xf32, #tpu.memory_space<hbm>>) dst(%dma_wait3A_207 : memref<128x64xf32, #tpu.memory_space<vmem>>)
    %dma_wait3A_214 = arith.constant 1 : i32
    %dma_wait3A_215 = arith.constant 128 : i32
    %dma_wait3A_216 = arith.constant 0 : i32
    %dma_wait3A_217 = tpu.memref_slice %arg13[%dma_wait3A_215, %dma_wait3A_216] : memref<512x64xf32, #tpu.memory_space<vmem>> -> memref<128x64xf32, #tpu.memory_space<vmem>>
    %dma_wait3A_218 = arith.constant 0 : i32
    %dma_wait3A_219 = tpu.memref_slice %arg11[%dma_wait3A_214, %dma_wait3A_218] : memref<4x128xi32, #tpu.memory_space<vmem>> -> memref<1x128xi32, #tpu.memory_space<vmem>>
    %dma_wait3A_220 = tpu.memref_squeeze %dma_wait3A_219 : memref<1x128xi32, #tpu.memory_space<vmem>> -> memref<128xi32, #tpu.memory_space<vmem>>
    %dma_wait3A_221 = arith.constant 0 : i32
    %dma_wait3A_222 = arith.constant 0 : i32
    %dma_wait3A_223 = tpu.memref_slice %arg5[%dma_wait3A_221, %dma_wait3A_222] : memref<1000000x64xf32, #tpu.memory_space<hbm>> -> memref<1000000x64xf32, #tpu.memory_space<hbm>>
    tpu.wait_indirect_dma semaphore(%arg18 : memref<!tpu.dma_semaphore, #tpu.memory_space<semaphore_mem>>) src(%dma_wait3A_223 : memref<1000000x64xf32, #tpu.memory_space<hbm>>) dst(%dma_wait3A_217 : memref<128x64xf32, #tpu.memory_space<vmem>>)
    %dma_wait3A_224 = arith.constant 1 : i32
    %dma_wait3A_225 = arith.constant 128 : i32
    %dma_wait3A_226 = tpu.memref_slice %arg14[%dma_wait3A_225] : memref<512xf32, #tpu.memory_space<vmem>> -> memref<128xf32, #tpu.memory_space<vmem>>
    %dma_wait3A_227 = arith.constant 0 : i32
    %dma_wait3A_228 = tpu.memref_slice %arg10[%dma_wait3A_224, %dma_wait3A_227] : memref<4x128xi32, #tpu.memory_space<vmem>> -> memref<1x128xi32, #tpu.memory_space<vmem>>
    %dma_wait3A_229 = tpu.memref_squeeze %dma_wait3A_228 : memref<1x128xi32, #tpu.memory_space<vmem>> -> memref<128xi32, #tpu.memory_space<vmem>>
    %dma_wait3A_230 = arith.constant 0 : i32
    %dma_wait3A_231 = tpu.memref_slice %arg6[%dma_wait3A_230] : memref<1000000xf32, #tpu.memory_space<hbm>> -> memref<1000000xf32, #tpu.memory_space<hbm>>
    tpu.wait_indirect_dma semaphore(%arg18 : memref<!tpu.dma_semaphore, #tpu.memory_space<semaphore_mem>>) src(%dma_wait3A_231 : memref<1000000xf32, #tpu.memory_space<hbm>>) dst(%dma_wait3A_226 : memref<128xf32, #tpu.memory_space<vmem>>)
    %dma_wait3A_232 = arith.constant 1 : i32
    %dma_wait3A_233 = arith.constant 128 : i32
    %dma_wait3A_234 = tpu.memref_slice %arg15[%dma_wait3A_233] : memref<512xf32, #tpu.memory_space<vmem>> -> memref<128xf32, #tpu.memory_space<vmem>>
    %dma_wait3A_235 = arith.constant 0 : i32
    %dma_wait3A_236 = tpu.memref_slice %arg11[%dma_wait3A_232, %dma_wait3A_235] : memref<4x128xi32, #tpu.memory_space<vmem>> -> memref<1x128xi32, #tpu.memory_space<vmem>>
    %dma_wait3A_237 = tpu.memref_squeeze %dma_wait3A_236 : memref<1x128xi32, #tpu.memory_space<vmem>> -> memref<128xi32, #tpu.memory_space<vmem>>
    %dma_wait3A_238 = arith.constant 0 : i32
    %dma_wait3A_239 = tpu.memref_slice %arg7[%dma_wait3A_238] : memref<1000000xf32, #tpu.memory_space<hbm>> -> memref<1000000xf32, #tpu.memory_space<hbm>>
    tpu.wait_indirect_dma semaphore(%arg18 : memref<!tpu.dma_semaphore, #tpu.memory_space<semaphore_mem>>) src(%dma_wait3A_239 : memref<1000000xf32, #tpu.memory_space<hbm>>) dst(%dma_wait3A_234 : memref<128xf32, #tpu.memory_space<vmem>>)
    %dma_wait3A_240 = arith.constant 2 : i32
    %dma_wait3A_241 = arith.constant 256 : i32
    %dma_wait3A_242 = arith.constant 0 : i32
    %dma_wait3A_243 = tpu.memref_slice %arg12[%dma_wait3A_241, %dma_wait3A_242] : memref<512x64xf32, #tpu.memory_space<vmem>> -> memref<128x64xf32, #tpu.memory_space<vmem>>
    %dma_wait3A_244 = arith.constant 0 : i32
    %dma_wait3A_245 = tpu.memref_slice %arg10[%dma_wait3A_240, %dma_wait3A_244] : memref<4x128xi32, #tpu.memory_space<vmem>> -> memref<1x128xi32, #tpu.memory_space<vmem>>
    %dma_wait3A_246 = tpu.memref_squeeze %dma_wait3A_245 : memref<1x128xi32, #tpu.memory_space<vmem>> -> memref<128xi32, #tpu.memory_space<vmem>>
    %dma_wait3A_247 = arith.constant 0 : i32
    %dma_wait3A_248 = arith.constant 0 : i32
    %dma_wait3A_249 = tpu.memref_slice %arg4[%dma_wait3A_247, %dma_wait3A_248] : memref<1000000x64xf32, #tpu.memory_space<hbm>> -> memref<1000000x64xf32, #tpu.memory_space<hbm>>
    tpu.wait_indirect_dma semaphore(%arg18 : memref<!tpu.dma_semaphore, #tpu.memory_space<semaphore_mem>>) src(%dma_wait3A_249 : memref<1000000x64xf32, #tpu.memory_space<hbm>>) dst(%dma_wait3A_243 : memref<128x64xf32, #tpu.memory_space<vmem>>)
    %dma_wait3A_250 = arith.constant 2 : i32
    %dma_wait3A_251 = arith.constant 256 : i32
    %dma_wait3A_252 = arith.constant 0 : i32
    %dma_wait3A_253 = tpu.memref_slice %arg13[%dma_wait3A_251, %dma_wait3A_252] : memref<512x64xf32, #tpu.memory_space<vmem>> -> memref<128x64xf32, #tpu.memory_space<vmem>>
    %dma_wait3A_254 = arith.constant 0 : i32
    %dma_wait3A_255 = tpu.memref_slice %arg11[%dma_wait3A_250, %dma_wait3A_254] : memref<4x128xi32, #tpu.memory_space<vmem>> -> memref<1x128xi32, #tpu.memory_space<vmem>>
    %dma_wait3A_256 = tpu.memref_squeeze %dma_wait3A_255 : memref<1x128xi32, #tpu.memory_space<vmem>> -> memref<128xi32, #tpu.memory_space<vmem>>
    %dma_wait3A_257 = arith.constant 0 : i32
    %dma_wait3A_258 = arith.constant 0 : i32
    %dma_wait3A_259 = tpu.memref_slice %arg5[%dma_wait3A_257, %dma_wait3A_258] : memref<1000000x64xf32, #tpu.memory_space<hbm>> -> memref<1000000x64xf32, #tpu.memory_space<hbm>>
    tpu.wait_indirect_dma semaphore(%arg18 : memref<!tpu.dma_semaphore, #tpu.memory_space<semaphore_mem>>) src(%dma_wait3A_259 : memref<1000000x64xf32, #tpu.memory_space<hbm>>) dst(%dma_wait3A_253 : memref<128x64xf32, #tpu.memory_space<vmem>>)
    %dma_wait3A_260 = arith.constant 2 : i32
    %dma_wait3A_261 = arith.constant 256 : i32
    %dma_wait3A_262 = tpu.memref_slice %arg14[%dma_wait3A_261] : memref<512xf32, #tpu.memory_space<vmem>> -> memref<128xf32, #tpu.memory_space<vmem>>
    %dma_wait3A_263 = arith.constant 0 : i32
    %dma_wait3A_264 = tpu.memref_slice %arg10[%dma_wait3A_260, %dma_wait3A_263] : memref<4x128xi32, #tpu.memory_space<vmem>> -> memref<1x128xi32, #tpu.memory_space<vmem>>
    %dma_wait3A_265 = tpu.memref_squeeze %dma_wait3A_264 : memref<1x128xi32, #tpu.memory_space<vmem>> -> memref<128xi32, #tpu.memory_space<vmem>>
    %dma_wait3A_266 = arith.constant 0 : i32
    %dma_wait3A_267 = tpu.memref_slice %arg6[%dma_wait3A_266] : memref<1000000xf32, #tpu.memory_space<hbm>> -> memref<1000000xf32, #tpu.memory_space<hbm>>
    tpu.wait_indirect_dma semaphore(%arg18 : memref<!tpu.dma_semaphore, #tpu.memory_space<semaphore_mem>>) src(%dma_wait3A_267 : memref<1000000xf32, #tpu.memory_space<hbm>>) dst(%dma_wait3A_262 : memref<128xf32, #tpu.memory_space<vmem>>)
    %dma_wait3A_268 = arith.constant 2 : i32
    %dma_wait3A_269 = arith.constant 256 : i32
    %dma_wait3A_270 = tpu.memref_slice %arg15[%dma_wait3A_269] : memref<512xf32, #tpu.memory_space<vmem>> -> memref<128xf32, #tpu.memory_space<vmem>>
    %dma_wait3A_271 = arith.constant 0 : i32
    %dma_wait3A_272 = tpu.memref_slice %arg11[%dma_wait3A_268, %dma_wait3A_271] : memref<4x128xi32, #tpu.memory_space<vmem>> -> memref<1x128xi32, #tpu.memory_space<vmem>>
    %dma_wait3A_273 = tpu.memref_squeeze %dma_wait3A_272 : memref<1x128xi32, #tpu.memory_space<vmem>> -> memref<128xi32, #tpu.memory_space<vmem>>
    %dma_wait3A_274 = arith.constant 0 : i32
    %dma_wait3A_275 = tpu.memref_slice %arg7[%dma_wait3A_274] : memref<1000000xf32, #tpu.memory_space<hbm>> -> memref<1000000xf32, #tpu.memory_space<hbm>>
    tpu.wait_indirect_dma semaphore(%arg18 : memref<!tpu.dma_semaphore, #tpu.memory_space<semaphore_mem>>) src(%dma_wait3A_275 : memref<1000000xf32, #tpu.memory_space<hbm>>) dst(%dma_wait3A_270 : memref<128xf32, #tpu.memory_space<vmem>>)
    %dma_wait3A_276 = arith.constant 3 : i32
    %dma_wait3A_277 = arith.constant 384 : i32
    %dma_wait3A_278 = arith.constant 0 : i32
    %dma_wait3A_279 = tpu.memref_slice %arg12[%dma_wait3A_277, %dma_wait3A_278] : memref<512x64xf32, #tpu.memory_space<vmem>> -> memref<128x64xf32, #tpu.memory_space<vmem>>
    %dma_wait3A_280 = arith.constant 0 : i32
    %dma_wait3A_281 = tpu.memref_slice %arg10[%dma_wait3A_276, %dma_wait3A_280] : memref<4x128xi32, #tpu.memory_space<vmem>> -> memref<1x128xi32, #tpu.memory_space<vmem>>
    %dma_wait3A_282 = tpu.memref_squeeze %dma_wait3A_281 : memref<1x128xi32, #tpu.memory_space<vmem>> -> memref<128xi32, #tpu.memory_space<vmem>>
    %dma_wait3A_283 = arith.constant 0 : i32
    %dma_wait3A_284 = arith.constant 0 : i32
    %dma_wait3A_285 = tpu.memref_slice %arg4[%dma_wait3A_283, %dma_wait3A_284] : memref<1000000x64xf32, #tpu.memory_space<hbm>> -> memref<1000000x64xf32, #tpu.memory_space<hbm>>
    tpu.wait_indirect_dma semaphore(%arg18 : memref<!tpu.dma_semaphore, #tpu.memory_space<semaphore_mem>>) src(%dma_wait3A_285 : memref<1000000x64xf32, #tpu.memory_space<hbm>>) dst(%dma_wait3A_279 : memref<128x64xf32, #tpu.memory_space<vmem>>)
    %dma_wait3A_286 = arith.constant 3 : i32
    %dma_wait3A_287 = arith.constant 384 : i32
    %dma_wait3A_288 = arith.constant 0 : i32
    %dma_wait3A_289 = tpu.memref_slice %arg13[%dma_wait3A_287, %dma_wait3A_288] : memref<512x64xf32, #tpu.memory_space<vmem>> -> memref<128x64xf32, #tpu.memory_space<vmem>>
    %dma_wait3A_290 = arith.constant 0 : i32
    %dma_wait3A_291 = tpu.memref_slice %arg11[%dma_wait3A_286, %dma_wait3A_290] : memref<4x128xi32, #tpu.memory_space<vmem>> -> memref<1x128xi32, #tpu.memory_space<vmem>>
    %dma_wait3A_292 = tpu.memref_squeeze %dma_wait3A_291 : memref<1x128xi32, #tpu.memory_space<vmem>> -> memref<128xi32, #tpu.memory_space<vmem>>
    %dma_wait3A_293 = arith.constant 0 : i32
    %dma_wait3A_294 = arith.constant 0 : i32
    %dma_wait3A_295 = tpu.memref_slice %arg5[%dma_wait3A_293, %dma_wait3A_294] : memref<1000000x64xf32, #tpu.memory_space<hbm>> -> memref<1000000x64xf32, #tpu.memory_space<hbm>>
    tpu.wait_indirect_dma semaphore(%arg18 : memref<!tpu.dma_semaphore, #tpu.memory_space<semaphore_mem>>) src(%dma_wait3A_295 : memref<1000000x64xf32, #tpu.memory_space<hbm>>) dst(%dma_wait3A_289 : memref<128x64xf32, #tpu.memory_space<vmem>>)
    %dma_wait3A_296 = arith.constant 3 : i32
    %dma_wait3A_297 = arith.constant 384 : i32
    %dma_wait3A_298 = tpu.memref_slice %arg14[%dma_wait3A_297] : memref<512xf32, #tpu.memory_space<vmem>> -> memref<128xf32, #tpu.memory_space<vmem>>
    %dma_wait3A_299 = arith.constant 0 : i32
    %dma_wait3A_300 = tpu.memref_slice %arg10[%dma_wait3A_296, %dma_wait3A_299] : memref<4x128xi32, #tpu.memory_space<vmem>> -> memref<1x128xi32, #tpu.memory_space<vmem>>
    %dma_wait3A_301 = tpu.memref_squeeze %dma_wait3A_300 : memref<1x128xi32, #tpu.memory_space<vmem>> -> memref<128xi32, #tpu.memory_space<vmem>>
    %dma_wait3A_302 = arith.constant 0 : i32
    %dma_wait3A_303 = tpu.memref_slice %arg6[%dma_wait3A_302] : memref<1000000xf32, #tpu.memory_space<hbm>> -> memref<1000000xf32, #tpu.memory_space<hbm>>
    tpu.wait_indirect_dma semaphore(%arg18 : memref<!tpu.dma_semaphore, #tpu.memory_space<semaphore_mem>>) src(%dma_wait3A_303 : memref<1000000xf32, #tpu.memory_space<hbm>>) dst(%dma_wait3A_298 : memref<128xf32, #tpu.memory_space<vmem>>)
    %dma_wait3A_304 = arith.constant 3 : i32
    %dma_wait3A_305 = arith.constant 384 : i32
    %dma_wait3A_306 = tpu.memref_slice %arg15[%dma_wait3A_305] : memref<512xf32, #tpu.memory_space<vmem>> -> memref<128xf32, #tpu.memory_space<vmem>>
    %dma_wait3A_307 = arith.constant 0 : i32
    %dma_wait3A_308 = tpu.memref_slice %arg11[%dma_wait3A_304, %dma_wait3A_307] : memref<4x128xi32, #tpu.memory_space<vmem>> -> memref<1x128xi32, #tpu.memory_space<vmem>>
    %dma_wait3A_309 = tpu.memref_squeeze %dma_wait3A_308 : memref<1x128xi32, #tpu.memory_space<vmem>> -> memref<128xi32, #tpu.memory_space<vmem>>
    %dma_wait3A_310 = arith.constant 0 : i32
    %dma_wait3A_311 = tpu.memref_slice %arg7[%dma_wait3A_310] : memref<1000000xf32, #tpu.memory_space<hbm>> -> memref<1000000xf32, #tpu.memory_space<hbm>>
    tpu.wait_indirect_dma semaphore(%arg18 : memref<!tpu.dma_semaphore, #tpu.memory_space<semaphore_mem>>) src(%dma_wait3A_311 : memref<1000000xf32, #tpu.memory_space<hbm>>) dst(%dma_wait3A_306 : memref<128xf32, #tpu.memory_space<vmem>>)
    %get3A = arith.constant 0 : index
    %get3A_312 = tpu.vector_load %arg16[%get3A] {strides = array<i32>} : memref<16xf32, #tpu.memory_space<vmem>>, vector<16xf32>,
    %scan3A = arith.constant 0 : i32
    %scan3A_313 = arith.constant 0 : i32
    %scan3A_314 = arith.constant 32 : i32
    %scan3A_315 = arith.addi %scan3A_313, %scan3A_314 : i32
    %scan3A_316 = arith.constant 1 : i32
    scf.for %scan3A_318 = %scan3A_313 to %scan3A_315 step %scan3A_316  : i32 {
      %mul3A_319 = arith.constant 16 : i32
      %mul3A_320 = arith.muli %scan3A_318, %mul3A_319 : i32
      %iota3A = tpu.iota {dimensions = array<i32: 0>} : vector<16xi32>
      %add3A_321 = vector.broadcast %mul3A_320 : i32 to vector<16xi32>
      %add3A_322 = arith.addi %add3A_321, %iota3A : vector<16xi32>
      %broadcast_in_dim3A = arith.constant 0.000000e+00 : f32
      %broadcast_in_dim3A_323 = vector.broadcast %broadcast_in_dim3A : f32 to vector<16xf32>
      %broadcast_in_dim3A_324 = arith.constant 0 : i32
      %broadcast_in_dim3A_325 = vector.broadcast %broadcast_in_dim3A_324 : i32 to vector<16xi32>
      %gather3A = tpu.vector_load_idx %arg12[%add3A_322, %broadcast_in_dim3A_325] : memref<512x64xf32, #tpu.memory_space<vmem>>[vector<16xi32>, vector<16xi32>], vector<16xf32>,
      %gather3A_326 = tpu.vector_load_idx %arg13[%add3A_322, %broadcast_in_dim3A_325] : memref<512x64xf32, #tpu.memory_space<vmem>>[vector<16xi32>, vector<16xi32>], vector<16xf32>,
      %mul3A_327 = arith.mulf %gather3A, %gather3A_326 : vector<16xf32>
      %add3A_328 = arith.addf %broadcast_in_dim3A_323, %mul3A_327 : vector<16xf32>
      %broadcast_in_dim3A_329 = arith.constant 1 : i32
      %broadcast_in_dim3A_330 = vector.broadcast %broadcast_in_dim3A_329 : i32 to vector<16xi32>
      %gather3A_331 = tpu.vector_load_idx %arg12[%add3A_322, %broadcast_in_dim3A_330] : memref<512x64xf32, #tpu.memory_space<vmem>>[vector<16xi32>, vector<16xi32>], vector<16xf32>,
      %gather3A_332 = tpu.vector_load_idx %arg13[%add3A_322, %broadcast_in_dim3A_330] : memref<512x64xf32, #tpu.memory_space<vmem>>[vector<16xi32>, vector<16xi32>], vector<16xf32>,
      %mul3A_333 = arith.mulf %gather3A_331, %gather3A_332 : vector<16xf32>
      %add3A_334 = arith.addf %add3A_328, %mul3A_333 : vector<16xf32>
      %broadcast_in_dim3A_335 = arith.constant 2 : i32
      %broadcast_in_dim3A_336 = vector.broadcast %broadcast_in_dim3A_335 : i32 to vector<16xi32>
      %gather3A_337 = tpu.vector_load_idx %arg12[%add3A_322, %broadcast_in_dim3A_336] : memref<512x64xf32, #tpu.memory_space<vmem>>[vector<16xi32>, vector<16xi32>], vector<16xf32>,
      %gather3A_338 = tpu.vector_load_idx %arg13[%add3A_322, %broadcast_in_dim3A_336] : memref<512x64xf32, #tpu.memory_space<vmem>>[vector<16xi32>, vector<16xi32>], vector<16xf32>,
      %mul3A_339 = arith.mulf %gather3A_337, %gather3A_338 : vector<16xf32>
      %add3A_340 = arith.addf %add3A_334, %mul3A_339 : vector<16xf32>
      %broadcast_in_dim3A_341 = arith.constant 3 : i32
      %broadcast_in_dim3A_342 = vector.broadcast %broadcast_in_dim3A_341 : i32 to vector<16xi32>
      %gather3A_343 = tpu.vector_load_idx %arg12[%add3A_322, %broadcast_in_dim3A_342] : memref<512x64xf32, #tpu.memory_space<vmem>>[vector<16xi32>, vector<16xi32>], vector<16xf32>,
      %gather3A_344 = tpu.vector_load_idx %arg13[%add3A_322, %broadcast_in_dim3A_342] : memref<512x64xf32, #tpu.memory_space<vmem>>[vector<16xi32>, vector<16xi32>], vector<16xf32>,
      %mul3A_345 = arith.mulf %gather3A_343, %gather3A_344 : vector<16xf32>
      %add3A_346 = arith.addf %add3A_340, %mul3A_345 : vector<16xf32>
      %broadcast_in_dim3A_347 = arith.constant 4 : i32
      %broadcast_in_dim3A_348 = vector.broadcast %broadcast_in_dim3A_347 : i32 to vector<16xi32>
      %gather3A_349 = tpu.vector_load_idx %arg12[%add3A_322, %broadcast_in_dim3A_348] : memref<512x64xf32, #tpu.memory_space<vmem>>[vector<16xi32>, vector<16xi32>], vector<16xf32>,
      %gather3A_350 = tpu.vector_load_idx %arg13[%add3A_322, %broadcast_in_dim3A_348] : memref<512x64xf32, #tpu.memory_space<vmem>>[vector<16xi32>, vector<16xi32>], vector<16xf32>,
      %mul3A_351 = arith.mulf %gather3A_349, %gather3A_350 : vector<16xf32>
      %add3A_352 = arith.addf %add3A_346, %mul3A_351 : vector<16xf32>
      %broadcast_in_dim3A_353 = arith.constant 5 : i32
      %broadcast_in_dim3A_354 = vector.broadcast %broadcast_in_dim3A_353 : i32 to vector<16xi32>
      %gather3A_355 = tpu.vector_load_idx %arg12[%add3A_322, %broadcast_in_dim3A_354] : memref<512x64xf32, #tpu.memory_space<vmem>>[vector<16xi32>, vector<16xi32>], vector<16xf32>,
      %gather3A_356 = tpu.vector_load_idx %arg13[%add3A_322, %broadcast_in_dim3A_354] : memref<512x64xf32, #tpu.memory_space<vmem>>[vector<16xi32>, vector<16xi32>], vector<16xf32>,
      %mul3A_357 = arith.mulf %gather3A_355, %gather3A_356 : vector<16xf32>
      %add3A_358 = arith.addf %add3A_352, %mul3A_357 : vector<16xf32>
      %broadcast_in_dim3A_359 = arith.constant 6 : i32
      %broadcast_in_dim3A_360 = vector.broadcast %broadcast_in_dim3A_359 : i32 to vector<16xi32>
      %gather3A_361 = tpu.vector_load_idx %arg12[%add3A_322, %broadcast_in_dim3A_360] : memref<512x64xf32, #tpu.memory_space<vmem>>[vector<16xi32>, vector<16xi32>], vector<16xf32>,
      %gather3A_362 = tpu.vector_load_idx %arg13[%add3A_322, %broadcast_in_dim3A_360] : memref<512x64xf32, #tpu.memory_space<vmem>>[vector<16xi32>, vector<16xi32>], vector<16xf32>,
      %mul3A_363 = arith.mulf %gather3A_361, %gather3A_362 : vector<16xf32>
      %add3A_364 = arith.addf %add3A_358, %mul3A_363 : vector<16xf32>
      %broadcast_in_dim3A_365 = arith.constant 7 : i32
      %broadcast_in_dim3A_366 = vector.broadcast %broadcast_in_dim3A_365 : i32 to vector<16xi32>
      %gather3A_367 = tpu.vector_load_idx %arg12[%add3A_322, %broadcast_in_dim3A_366] : memref<512x64xf32, #tpu.memory_space<vmem>>[vector<16xi32>, vector<16xi32>], vector<16xf32>,
      %gather3A_368 = tpu.vector_load_idx %arg13[%add3A_322, %broadcast_in_dim3A_366] : memref<512x64xf32, #tpu.memory_space<vmem>>[vector<16xi32>, vector<16xi32>], vector<16xf32>,
      %mul3A_369 = arith.mulf %gather3A_367, %gather3A_368 : vector<16xf32>
      %add3A_370 = arith.addf %add3A_364, %mul3A_369 : vector<16xf32>
      %broadcast_in_dim3A_371 = arith.constant 8 : i32
      %broadcast_in_dim3A_372 = vector.broadcast %broadcast_in_dim3A_371 : i32 to vector<16xi32>
      %gather3A_373 = tpu.vector_load_idx %arg12[%add3A_322, %broadcast_in_dim3A_372] : memref<512x64xf32, #tpu.memory_space<vmem>>[vector<16xi32>, vector<16xi32>], vector<16xf32>,
      %gather3A_374 = tpu.vector_load_idx %arg13[%add3A_322, %broadcast_in_dim3A_372] : memref<512x64xf32, #tpu.memory_space<vmem>>[vector<16xi32>, vector<16xi32>], vector<16xf32>,
      %mul3A_375 = arith.mulf %gather3A_373, %gather3A_374 : vector<16xf32>
      %add3A_376 = arith.addf %add3A_370, %mul3A_375 : vector<16xf32>
      %broadcast_in_dim3A_377 = arith.constant 9 : i32
      %broadcast_in_dim3A_378 = vector.broadcast %broadcast_in_dim3A_377 : i32 to vector<16xi32>
      %gather3A_379 = tpu.vector_load_idx %arg12[%add3A_322, %broadcast_in_dim3A_378] : memref<512x64xf32, #tpu.memory_space<vmem>>[vector<16xi32>, vector<16xi32>], vector<16xf32>,
      %gather3A_380 = tpu.vector_load_idx %arg13[%add3A_322, %broadcast_in_dim3A_378] : memref<512x64xf32, #tpu.memory_space<vmem>>[vector<16xi32>, vector<16xi32>], vector<16xf32>,
      %mul3A_381 = arith.mulf %gather3A_379, %gather3A_380 : vector<16xf32>
      %add3A_382 = arith.addf %add3A_376, %mul3A_381 : vector<16xf32>
      %broadcast_in_dim3A_383 = arith.constant 10 : i32
      %broadcast_in_dim3A_384 = vector.broadcast %broadcast_in_dim3A_383 : i32 to vector<16xi32>
      %gather3A_385 = tpu.vector_load_idx %arg12[%add3A_322, %broadcast_in_dim3A_384] : memref<512x64xf32, #tpu.memory_space<vmem>>[vector<16xi32>, vector<16xi32>], vector<16xf32>,
      %gather3A_386 = tpu.vector_load_idx %arg13[%add3A_322, %broadcast_in_dim3A_384] : memref<512x64xf32, #tpu.memory_space<vmem>>[vector<16xi32>, vector<16xi32>], vector<16xf32>,
      %mul3A_387 = arith.mulf %gather3A_385, %gather3A_386 : vector<16xf32>
      %add3A_388 = arith.addf %add3A_382, %mul3A_387 : vector<16xf32>
      %broadcast_in_dim3A_389 = arith.constant 11 : i32
      %broadcast_in_dim3A_390 = vector.broadcast %broadcast_in_dim3A_389 : i32 to vector<16xi32>
      %gather3A_391 = tpu.vector_load_idx %arg12[%add3A_322, %broadcast_in_dim3A_390] : memref<512x64xf32, #tpu.memory_space<vmem>>[vector<16xi32>, vector<16xi32>], vector<16xf32>,
      %gather3A_392 = tpu.vector_load_idx %arg13[%add3A_322, %broadcast_in_dim3A_390] : memref<512x64xf32, #tpu.memory_space<vmem>>[vector<16xi32>, vector<16xi32>], vector<16xf32>,
      %mul3A_393 = arith.mulf %gather3A_391, %gather3A_392 : vector<16xf32>
      %add3A_394 = arith.addf %add3A_388, %mul3A_393 : vector<16xf32>
      %broadcast_in_dim3A_395 = arith.constant 12 : i32
      %broadcast_in_dim3A_396 = vector.broadcast %broadcast_in_dim3A_395 : i32 to vector<16xi32>
      %gather3A_397 = tpu.vector_load_idx %arg12[%add3A_322, %broadcast_in_dim3A_396] : memref<512x64xf32, #tpu.memory_space<vmem>>[vector<16xi32>, vector<16xi32>], vector<16xf32>,
      %gather3A_398 = tpu.vector_load_idx %arg13[%add3A_322, %broadcast_in_dim3A_396] : memref<512x64xf32, #tpu.memory_space<vmem>>[vector<16xi32>, vector<16xi32>], vector<16xf32>,
      %mul3A_399 = arith.mulf %gather3A_397, %gather3A_398 : vector<16xf32>
      %add3A_400 = arith.addf %add3A_394, %mul3A_399 : vector<16xf32>
      %broadcast_in_dim3A_401 = arith.constant 13 : i32
      %broadcast_in_dim3A_402 = vector.broadcast %broadcast_in_dim3A_401 : i32 to vector<16xi32>
      %gather3A_403 = tpu.vector_load_idx %arg12[%add3A_322, %broadcast_in_dim3A_402] : memref<512x64xf32, #tpu.memory_space<vmem>>[vector<16xi32>, vector<16xi32>], vector<16xf32>,
      %gather3A_404 = tpu.vector_load_idx %arg13[%add3A_322, %broadcast_in_dim3A_402] : memref<512x64xf32, #tpu.memory_space<vmem>>[vector<16xi32>, vector<16xi32>], vector<16xf32>,
      %mul3A_405 = arith.mulf %gather3A_403, %gather3A_404 : vector<16xf32>
      %add3A_406 = arith.addf %add3A_400, %mul3A_405 : vector<16xf32>
      %broadcast_in_dim3A_407 = arith.constant 14 : i32
      %broadcast_in_dim3A_408 = vector.broadcast %broadcast_in_dim3A_407 : i32 to vector<16xi32>
      %gather3A_409 = tpu.vector_load_idx %arg12[%add3A_322, %broadcast_in_dim3A_408] : memref<512x64xf32, #tpu.memory_space<vmem>>[vector<16xi32>, vector<16xi32>], vector<16xf32>,
      %gather3A_410 = tpu.vector_load_idx %arg13[%add3A_322, %broadcast_in_dim3A_408] : memref<512x64xf32, #tpu.memory_space<vmem>>[vector<16xi32>, vector<16xi32>], vector<16xf32>,
      %mul3A_411 = arith.mulf %gather3A_409, %gather3A_410 : vector<16xf32>
      %add3A_412 = arith.addf %add3A_406, %mul3A_411 : vector<16xf32>
      %broadcast_in_dim3A_413 = arith.constant 15 : i32
      %broadcast_in_dim3A_414 = vector.broadcast %broadcast_in_dim3A_413 : i32 to vector<16xi32>
      %gather3A_415 = tpu.vector_load_idx %arg12[%add3A_322, %broadcast_in_dim3A_414] : memref<512x64xf32, #tpu.memory_space<vmem>>[vector<16xi32>, vector<16xi32>], vector<16xf32>,
      %gather3A_416 = tpu.vector_load_idx %arg13[%add3A_322, %broadcast_in_dim3A_414] : memref<512x64xf32, #tpu.memory_space<vmem>>[vector<16xi32>, vector<16xi32>], vector<16xf32>,
      %mul3A_417 = arith.mulf %gather3A_415, %gather3A_416 : vector<16xf32>
      %add3A_418 = arith.addf %add3A_412, %mul3A_417 : vector<16xf32>
      %broadcast_in_dim3A_419 = arith.constant 16 : i32
      %broadcast_in_dim3A_420 = vector.broadcast %broadcast_in_dim3A_419 : i32 to vector<16xi32>
      %gather3A_421 = tpu.vector_load_idx %arg12[%add3A_322, %broadcast_in_dim3A_420] : memref<512x64xf32, #tpu.memory_space<vmem>>[vector<16xi32>, vector<16xi32>], vector<16xf32>,
      %gather3A_422 = tpu.vector_load_idx %arg13[%add3A_322, %broadcast_in_dim3A_420] : memref<512x64xf32, #tpu.memory_space<vmem>>[vector<16xi32>, vector<16xi32>], vector<16xf32>,
      %mul3A_423 = arith.mulf %gather3A_421, %gather3A_422 : vector<16xf32>
      %add3A_424 = arith.addf %add3A_418, %mul3A_423 : vector<16xf32>
      %broadcast_in_dim3A_425 = arith.constant 17 : i32
      %broadcast_in_dim3A_426 = vector.broadcast %broadcast_in_dim3A_425 : i32 to vector<16xi32>
      %gather3A_427 = tpu.vector_load_idx %arg12[%add3A_322, %broadcast_in_dim3A_426] : memref<512x64xf32, #tpu.memory_space<vmem>>[vector<16xi32>, vector<16xi32>], vector<16xf32>,
      %gather3A_428 = tpu.vector_load_idx %arg13[%add3A_322, %broadcast_in_dim3A_426] : memref<512x64xf32, #tpu.memory_space<vmem>>[vector<16xi32>, vector<16xi32>], vector<16xf32>,
      %mul3A_429 = arith.mulf %gather3A_427, %gather3A_428 : vector<16xf32>
      %add3A_430 = arith.addf %add3A_424, %mul3A_429 : vector<16xf32>
      %broadcast_in_dim3A_431 = arith.constant 18 : i32
      %broadcast_in_dim3A_432 = vector.broadcast %broadcast_in_dim3A_431 : i32 to vector<16xi32>
      %gather3A_433 = tpu.vector_load_idx %arg12[%add3A_322, %broadcast_in_dim3A_432] : memref<512x64xf32, #tpu.memory_space<vmem>>[vector<16xi32>, vector<16xi32>], vector<16xf32>,
      %gather3A_434 = tpu.vector_load_idx %arg13[%add3A_322, %broadcast_in_dim3A_432] : memref<512x64xf32, #tpu.memory_space<vmem>>[vector<16xi32>, vector<16xi32>], vector<16xf32>,
      %mul3A_435 = arith.mulf %gather3A_433, %gather3A_434 : vector<16xf32>
      %add3A_436 = arith.addf %add3A_430, %mul3A_435 : vector<16xf32>
      %broadcast_in_dim3A_437 = arith.constant 19 : i32
      %broadcast_in_dim3A_438 = vector.broadcast %broadcast_in_dim3A_437 : i32 to vector<16xi32>
      %gather3A_439 = tpu.vector_load_idx %arg12[%add3A_322, %broadcast_in_dim3A_438] : memref<512x64xf32, #tpu.memory_space<vmem>>[vector<16xi32>, vector<16xi32>], vector<16xf32>,
      %gather3A_440 = tpu.vector_load_idx %arg13[%add3A_322, %broadcast_in_dim3A_438] : memref<512x64xf32, #tpu.memory_space<vmem>>[vector<16xi32>, vector<16xi32>], vector<16xf32>,
      %mul3A_441 = arith.mulf %gather3A_439, %gather3A_440 : vector<16xf32>
      %add3A_442 = arith.addf %add3A_436, %mul3A_441 : vector<16xf32>
      %broadcast_in_dim3A_443 = arith.constant 20 : i32
      %broadcast_in_dim3A_444 = vector.broadcast %broadcast_in_dim3A_443 : i32 to vector<16xi32>
      %gather3A_445 = tpu.vector_load_idx %arg12[%add3A_322, %broadcast_in_dim3A_444] : memref<512x64xf32, #tpu.memory_space<vmem>>[vector<16xi32>, vector<16xi32>], vector<16xf32>,
      %gather3A_446 = tpu.vector_load_idx %arg13[%add3A_322, %broadcast_in_dim3A_444] : memref<512x64xf32, #tpu.memory_space<vmem>>[vector<16xi32>, vector<16xi32>], vector<16xf32>,
      %mul3A_447 = arith.mulf %gather3A_445, %gather3A_446 : vector<16xf32>
      %add3A_448 = arith.addf %add3A_442, %mul3A_447 : vector<16xf32>
      %broadcast_in_dim3A_449 = arith.constant 21 : i32
      %broadcast_in_dim3A_450 = vector.broadcast %broadcast_in_dim3A_449 : i32 to vector<16xi32>
      %gather3A_451 = tpu.vector_load_idx %arg12[%add3A_322, %broadcast_in_dim3A_450] : memref<512x64xf32, #tpu.memory_space<vmem>>[vector<16xi32>, vector<16xi32>], vector<16xf32>,
      %gather3A_452 = tpu.vector_load_idx %arg13[%add3A_322, %broadcast_in_dim3A_450] : memref<512x64xf32, #tpu.memory_space<vmem>>[vector<16xi32>, vector<16xi32>], vector<16xf32>,
      %mul3A_453 = arith.mulf %gather3A_451, %gather3A_452 : vector<16xf32>
      %add3A_454 = arith.addf %add3A_448, %mul3A_453 : vector<16xf32>
      %broadcast_in_dim3A_455 = arith.constant 22 : i32
      %broadcast_in_dim3A_456 = vector.broadcast %broadcast_in_dim3A_455 : i32 to vector<16xi32>
      %gather3A_457 = tpu.vector_load_idx %arg12[%add3A_322, %broadcast_in_dim3A_456] : memref<512x64xf32, #tpu.memory_space<vmem>>[vector<16xi32>, vector<16xi32>], vector<16xf32>,
      %gather3A_458 = tpu.vector_load_idx %arg13[%add3A_322, %broadcast_in_dim3A_456] : memref<512x64xf32, #tpu.memory_space<vmem>>[vector<16xi32>, vector<16xi32>], vector<16xf32>,
      %mul3A_459 = arith.mulf %gather3A_457, %gather3A_458 : vector<16xf32>
      %add3A_460 = arith.addf %add3A_454, %mul3A_459 : vector<16xf32>
      %broadcast_in_dim3A_461 = arith.constant 23 : i32
      %broadcast_in_dim3A_462 = vector.broadcast %broadcast_in_dim3A_461 : i32 to vector<16xi32>
      %gather3A_463 = tpu.vector_load_idx %arg12[%add3A_322, %broadcast_in_dim3A_462] : memref<512x64xf32, #tpu.memory_space<vmem>>[vector<16xi32>, vector<16xi32>], vector<16xf32>,
      %gather3A_464 = tpu.vector_load_idx %arg13[%add3A_322, %broadcast_in_dim3A_462] : memref<512x64xf32, #tpu.memory_space<vmem>>[vector<16xi32>, vector<16xi32>], vector<16xf32>,
      %mul3A_465 = arith.mulf %gather3A_463, %gather3A_464 : vector<16xf32>
      %add3A_466 = arith.addf %add3A_460, %mul3A_465 : vector<16xf32>
      %broadcast_in_dim3A_467 = arith.constant 24 : i32
      %broadcast_in_dim3A_468 = vector.broadcast %broadcast_in_dim3A_467 : i32 to vector<16xi32>
      %gather3A_469 = tpu.vector_load_idx %arg12[%add3A_322, %broadcast_in_dim3A_468] : memref<512x64xf32, #tpu.memory_space<vmem>>[vector<16xi32>, vector<16xi32>], vector<16xf32>,
      %gather3A_470 = tpu.vector_load_idx %arg13[%add3A_322, %broadcast_in_dim3A_468] : memref<512x64xf32, #tpu.memory_space<vmem>>[vector<16xi32>, vector<16xi32>], vector<16xf32>,
      %mul3A_471 = arith.mulf %gather3A_469, %gather3A_470 : vector<16xf32>
      %add3A_472 = arith.addf %add3A_466, %mul3A_471 : vector<16xf32>
      %broadcast_in_dim3A_473 = arith.constant 25 : i32
      %broadcast_in_dim3A_474 = vector.broadcast %broadcast_in_dim3A_473 : i32 to vector<16xi32>
      %gather3A_475 = tpu.vector_load_idx %arg12[%add3A_322, %broadcast_in_dim3A_474] : memref<512x64xf32, #tpu.memory_space<vmem>>[vector<16xi32>, vector<16xi32>], vector<16xf32>,
      %gather3A_476 = tpu.vector_load_idx %arg13[%add3A_322, %broadcast_in_dim3A_474] : memref<512x64xf32, #tpu.memory_space<vmem>>[vector<16xi32>, vector<16xi32>], vector<16xf32>,
      %mul3A_477 = arith.mulf %gather3A_475, %gather3A_476 : vector<16xf32>
      %add3A_478 = arith.addf %add3A_472, %mul3A_477 : vector<16xf32>
      %broadcast_in_dim3A_479 = arith.constant 26 : i32
      %broadcast_in_dim3A_480 = vector.broadcast %broadcast_in_dim3A_479 : i32 to vector<16xi32>
      %gather3A_481 = tpu.vector_load_idx %arg12[%add3A_322, %broadcast_in_dim3A_480] : memref<512x64xf32, #tpu.memory_space<vmem>>[vector<16xi32>, vector<16xi32>], vector<16xf32>,
      %gather3A_482 = tpu.vector_load_idx %arg13[%add3A_322, %broadcast_in_dim3A_480] : memref<512x64xf32, #tpu.memory_space<vmem>>[vector<16xi32>, vector<16xi32>], vector<16xf32>,
      %mul3A_483 = arith.mulf %gather3A_481, %gather3A_482 : vector<16xf32>
      %add3A_484 = arith.addf %add3A_478, %mul3A_483 : vector<16xf32>
      %broadcast_in_dim3A_485 = arith.constant 27 : i32
      %broadcast_in_dim3A_486 = vector.broadcast %broadcast_in_dim3A_485 : i32 to vector<16xi32>
      %gather3A_487 = tpu.vector_load_idx %arg12[%add3A_322, %broadcast_in_dim3A_486] : memref<512x64xf32, #tpu.memory_space<vmem>>[vector<16xi32>, vector<16xi32>], vector<16xf32>,
      %gather3A_488 = tpu.vector_load_idx %arg13[%add3A_322, %broadcast_in_dim3A_486] : memref<512x64xf32, #tpu.memory_space<vmem>>[vector<16xi32>, vector<16xi32>], vector<16xf32>,
      %mul3A_489 = arith.mulf %gather3A_487, %gather3A_488 : vector<16xf32>
      %add3A_490 = arith.addf %add3A_484, %mul3A_489 : vector<16xf32>
      %broadcast_in_dim3A_491 = arith.constant 28 : i32
      %broadcast_in_dim3A_492 = vector.broadcast %broadcast_in_dim3A_491 : i32 to vector<16xi32>
      %gather3A_493 = tpu.vector_load_idx %arg12[%add3A_322, %broadcast_in_dim3A_492] : memref<512x64xf32, #tpu.memory_space<vmem>>[vector<16xi32>, vector<16xi32>], vector<16xf32>,
      %gather3A_494 = tpu.vector_load_idx %arg13[%add3A_322, %broadcast_in_dim3A_492] : memref<512x64xf32, #tpu.memory_space<vmem>>[vector<16xi32>, vector<16xi32>], vector<16xf32>,
      %mul3A_495 = arith.mulf %gather3A_493, %gather3A_494 : vector<16xf32>
      %add3A_496 = arith.addf %add3A_490, %mul3A_495 : vector<16xf32>
      %broadcast_in_dim3A_497 = arith.constant 29 : i32
      %broadcast_in_dim3A_498 = vector.broadcast %broadcast_in_dim3A_497 : i32 to vector<16xi32>
      %gather3A_499 = tpu.vector_load_idx %arg12[%add3A_322, %broadcast_in_dim3A_498] : memref<512x64xf32, #tpu.memory_space<vmem>>[vector<16xi32>, vector<16xi32>], vector<16xf32>,
      %gather3A_500 = tpu.vector_load_idx %arg13[%add3A_322, %broadcast_in_dim3A_498] : memref<512x64xf32, #tpu.memory_space<vmem>>[vector<16xi32>, vector<16xi32>], vector<16xf32>,
      %mul3A_501 = arith.mulf %gather3A_499, %gather3A_500 : vector<16xf32>
      %add3A_502 = arith.addf %add3A_496, %mul3A_501 : vector<16xf32>
      %broadcast_in_dim3A_503 = arith.constant 30 : i32
      %broadcast_in_dim3A_504 = vector.broadcast %broadcast_in_dim3A_503 : i32 to vector<16xi32>
      %gather3A_505 = tpu.vector_load_idx %arg12[%add3A_322, %broadcast_in_dim3A_504] : memref<512x64xf32, #tpu.memory_space<vmem>>[vector<16xi32>, vector<16xi32>], vector<16xf32>,
      %gather3A_506 = tpu.vector_load_idx %arg13[%add3A_322, %broadcast_in_dim3A_504] : memref<512x64xf32, #tpu.memory_space<vmem>>[vector<16xi32>, vector<16xi32>], vector<16xf32>,
      %mul3A_507 = arith.mulf %gather3A_505, %gather3A_506 : vector<16xf32>
      %add3A_508 = arith.addf %add3A_502, %mul3A_507 : vector<16xf32>
      %broadcast_in_dim3A_509 = arith.constant 31 : i32
      %broadcast_in_dim3A_510 = vector.broadcast %broadcast_in_dim3A_509 : i32 to vector<16xi32>
      %gather3A_511 = tpu.vector_load_idx %arg12[%add3A_322, %broadcast_in_dim3A_510] : memref<512x64xf32, #tpu.memory_space<vmem>>[vector<16xi32>, vector<16xi32>], vector<16xf32>,
      %gather3A_512 = tpu.vector_load_idx %arg13[%add3A_322, %broadcast_in_dim3A_510] : memref<512x64xf32, #tpu.memory_space<vmem>>[vector<16xi32>, vector<16xi32>], vector<16xf32>,
      %mul3A_513 = arith.mulf %gather3A_511, %gather3A_512 : vector<16xf32>
      %add3A_514 = arith.addf %add3A_508, %mul3A_513 : vector<16xf32>
      %broadcast_in_dim3A_515 = arith.constant 32 : i32
      %broadcast_in_dim3A_516 = vector.broadcast %broadcast_in_dim3A_515 : i32 to vector<16xi32>
      %gather3A_517 = tpu.vector_load_idx %arg12[%add3A_322, %broadcast_in_dim3A_516] : memref<512x64xf32, #tpu.memory_space<vmem>>[vector<16xi32>, vector<16xi32>], vector<16xf32>,
      %gather3A_518 = tpu.vector_load_idx %arg13[%add3A_322, %broadcast_in_dim3A_516] : memref<512x64xf32, #tpu.memory_space<vmem>>[vector<16xi32>, vector<16xi32>], vector<16xf32>,
      %mul3A_519 = arith.mulf %gather3A_517, %gather3A_518 : vector<16xf32>
      %add3A_520 = arith.addf %add3A_514, %mul3A_519 : vector<16xf32>
      %broadcast_in_dim3A_521 = arith.constant 33 : i32
      %broadcast_in_dim3A_522 = vector.broadcast %broadcast_in_dim3A_521 : i32 to vector<16xi32>
      %gather3A_523 = tpu.vector_load_idx %arg12[%add3A_322, %broadcast_in_dim3A_522] : memref<512x64xf32, #tpu.memory_space<vmem>>[vector<16xi32>, vector<16xi32>], vector<16xf32>,
      %gather3A_524 = tpu.vector_load_idx %arg13[%add3A_322, %broadcast_in_dim3A_522] : memref<512x64xf32, #tpu.memory_space<vmem>>[vector<16xi32>, vector<16xi32>], vector<16xf32>,
      %mul3A_525 = arith.mulf %gather3A_523, %gather3A_524 : vector<16xf32>
      %add3A_526 = arith.addf %add3A_520, %mul3A_525 : vector<16xf32>
      %broadcast_in_dim3A_527 = arith.constant 34 : i32
      %broadcast_in_dim3A_528 = vector.broadcast %broadcast_in_dim3A_527 : i32 to vector<16xi32>
      %gather3A_529 = tpu.vector_load_idx %arg12[%add3A_322, %broadcast_in_dim3A_528] : memref<512x64xf32, #tpu.memory_space<vmem>>[vector<16xi32>, vector<16xi32>], vector<16xf32>,
      %gather3A_530 = tpu.vector_load_idx %arg13[%add3A_322, %broadcast_in_dim3A_528] : memref<512x64xf32, #tpu.memory_space<vmem>>[vector<16xi32>, vector<16xi32>], vector<16xf32>,
      %mul3A_531 = arith.mulf %gather3A_529, %gather3A_530 : vector<16xf32>
      %add3A_532 = arith.addf %add3A_526, %mul3A_531 : vector<16xf32>
      %broadcast_in_dim3A_533 = arith.constant 35 : i32
      %broadcast_in_dim3A_534 = vector.broadcast %broadcast_in_dim3A_533 : i32 to vector<16xi32>
      %gather3A_535 = tpu.vector_load_idx %arg12[%add3A_322, %broadcast_in_dim3A_534] : memref<512x64xf32, #tpu.memory_space<vmem>>[vector<16xi32>, vector<16xi32>], vector<16xf32>,
      %gather3A_536 = tpu.vector_load_idx %arg13[%add3A_322, %broadcast_in_dim3A_534] : memref<512x64xf32, #tpu.memory_space<vmem>>[vector<16xi32>, vector<16xi32>], vector<16xf32>,
      %mul3A_537 = arith.mulf %gather3A_535, %gather3A_536 : vector<16xf32>
      %add3A_538 = arith.addf %add3A_532, %mul3A_537 : vector<16xf32>
      %broadcast_in_dim3A_539 = arith.constant 36 : i32
      %broadcast_in_dim3A_540 = vector.broadcast %broadcast_in_dim3A_539 : i32 to vector<16xi32>
      %gather3A_541 = tpu.vector_load_idx %arg12[%add3A_322, %broadcast_in_dim3A_540] : memref<512x64xf32, #tpu.memory_space<vmem>>[vector<16xi32>, vector<16xi32>], vector<16xf32>,
      %gather3A_542 = tpu.vector_load_idx %arg13[%add3A_322, %broadcast_in_dim3A_540] : memref<512x64xf32, #tpu.memory_space<vmem>>[vector<16xi32>, vector<16xi32>], vector<16xf32>,
      %mul3A_543 = arith.mulf %gather3A_541, %gather3A_542 : vector<16xf32>
      %add3A_544 = arith.addf %add3A_538, %mul3A_543 : vector<16xf32>
      %broadcast_in_dim3A_545 = arith.constant 37 : i32
      %broadcast_in_dim3A_546 = vector.broadcast %broadcast_in_dim3A_545 : i32 to vector<16xi32>
      %gather3A_547 = tpu.vector_load_idx %arg12[%add3A_322, %broadcast_in_dim3A_546] : memref<512x64xf32, #tpu.memory_space<vmem>>[vector<16xi32>, vector<16xi32>], vector<16xf32>,
      %gather3A_548 = tpu.vector_load_idx %arg13[%add3A_322, %broadcast_in_dim3A_546] : memref<512x64xf32, #tpu.memory_space<vmem>>[vector<16xi32>, vector<16xi32>], vector<16xf32>,
      %mul3A_549 = arith.mulf %gather3A_547, %gather3A_548 : vector<16xf32>
      %add3A_550 = arith.addf %add3A_544, %mul3A_549 : vector<16xf32>
      %broadcast_in_dim3A_551 = arith.constant 38 : i32
      %broadcast_in_dim3A_552 = vector.broadcast %broadcast_in_dim3A_551 : i32 to vector<16xi32>
      %gather3A_553 = tpu.vector_load_idx %arg12[%add3A_322, %broadcast_in_dim3A_552] : memref<512x64xf32, #tpu.memory_space<vmem>>[vector<16xi32>, vector<16xi32>], vector<16xf32>,
      %gather3A_554 = tpu.vector_load_idx %arg13[%add3A_322, %broadcast_in_dim3A_552] : memref<512x64xf32, #tpu.memory_space<vmem>>[vector<16xi32>, vector<16xi32>], vector<16xf32>,
      %mul3A_555 = arith.mulf %gather3A_553, %gather3A_554 : vector<16xf32>
      %add3A_556 = arith.addf %add3A_550, %mul3A_555 : vector<16xf32>
      %broadcast_in_dim3A_557 = arith.constant 39 : i32
      %broadcast_in_dim3A_558 = vector.broadcast %broadcast_in_dim3A_557 : i32 to vector<16xi32>
      %gather3A_559 = tpu.vector_load_idx %arg12[%add3A_322, %broadcast_in_dim3A_558] : memref<512x64xf32, #tpu.memory_space<vmem>>[vector<16xi32>, vector<16xi32>], vector<16xf32>,
      %gather3A_560 = tpu.vector_load_idx %arg13[%add3A_322, %broadcast_in_dim3A_558] : memref<512x64xf32, #tpu.memory_space<vmem>>[vector<16xi32>, vector<16xi32>], vector<16xf32>,
      %mul3A_561 = arith.mulf %gather3A_559, %gather3A_560 : vector<16xf32>
      %add3A_562 = arith.addf %add3A_556, %mul3A_561 : vector<16xf32>
      %broadcast_in_dim3A_563 = arith.constant 40 : i32
      %broadcast_in_dim3A_564 = vector.broadcast %broadcast_in_dim3A_563 : i32 to vector<16xi32>
      %gather3A_565 = tpu.vector_load_idx %arg12[%add3A_322, %broadcast_in_dim3A_564] : memref<512x64xf32, #tpu.memory_space<vmem>>[vector<16xi32>, vector<16xi32>], vector<16xf32>,
      %gather3A_566 = tpu.vector_load_idx %arg13[%add3A_322, %broadcast_in_dim3A_564] : memref<512x64xf32, #tpu.memory_space<vmem>>[vector<16xi32>, vector<16xi32>], vector<16xf32>,
      %mul3A_567 = arith.mulf %gather3A_565, %gather3A_566 : vector<16xf32>
      %add3A_568 = arith.addf %add3A_562, %mul3A_567 : vector<16xf32>
      %broadcast_in_dim3A_569 = arith.constant 41 : i32
      %broadcast_in_dim3A_570 = vector.broadcast %broadcast_in_dim3A_569 : i32 to vector<16xi32>
      %gather3A_571 = tpu.vector_load_idx %arg12[%add3A_322, %broadcast_in_dim3A_570] : memref<512x64xf32, #tpu.memory_space<vmem>>[vector<16xi32>, vector<16xi32>], vector<16xf32>,
      %gather3A_572 = tpu.vector_load_idx %arg13[%add3A_322, %broadcast_in_dim3A_570] : memref<512x64xf32, #tpu.memory_space<vmem>>[vector<16xi32>, vector<16xi32>], vector<16xf32>,
      %mul3A_573 = arith.mulf %gather3A_571, %gather3A_572 : vector<16xf32>
      %add3A_574 = arith.addf %add3A_568, %mul3A_573 : vector<16xf32>
      %broadcast_in_dim3A_575 = arith.constant 42 : i32
      %broadcast_in_dim3A_576 = vector.broadcast %broadcast_in_dim3A_575 : i32 to vector<16xi32>
      %gather3A_577 = tpu.vector_load_idx %arg12[%add3A_322, %broadcast_in_dim3A_576] : memref<512x64xf32, #tpu.memory_space<vmem>>[vector<16xi32>, vector<16xi32>], vector<16xf32>,
      %gather3A_578 = tpu.vector_load_idx %arg13[%add3A_322, %broadcast_in_dim3A_576] : memref<512x64xf32, #tpu.memory_space<vmem>>[vector<16xi32>, vector<16xi32>], vector<16xf32>,
      %mul3A_579 = arith.mulf %gather3A_577, %gather3A_578 : vector<16xf32>
      %add3A_580 = arith.addf %add3A_574, %mul3A_579 : vector<16xf32>
      %broadcast_in_dim3A_581 = arith.constant 43 : i32
      %broadcast_in_dim3A_582 = vector.broadcast %broadcast_in_dim3A_581 : i32 to vector<16xi32>
      %gather3A_583 = tpu.vector_load_idx %arg12[%add3A_322, %broadcast_in_dim3A_582] : memref<512x64xf32, #tpu.memory_space<vmem>>[vector<16xi32>, vector<16xi32>], vector<16xf32>,
      %gather3A_584 = tpu.vector_load_idx %arg13[%add3A_322, %broadcast_in_dim3A_582] : memref<512x64xf32, #tpu.memory_space<vmem>>[vector<16xi32>, vector<16xi32>], vector<16xf32>,
      %mul3A_585 = arith.mulf %gather3A_583, %gather3A_584 : vector<16xf32>
      %add3A_586 = arith.addf %add3A_580, %mul3A_585 : vector<16xf32>
      %broadcast_in_dim3A_587 = arith.constant 44 : i32
      %broadcast_in_dim3A_588 = vector.broadcast %broadcast_in_dim3A_587 : i32 to vector<16xi32>
      %gather3A_589 = tpu.vector_load_idx %arg12[%add3A_322, %broadcast_in_dim3A_588] : memref<512x64xf32, #tpu.memory_space<vmem>>[vector<16xi32>, vector<16xi32>], vector<16xf32>,
      %gather3A_590 = tpu.vector_load_idx %arg13[%add3A_322, %broadcast_in_dim3A_588] : memref<512x64xf32, #tpu.memory_space<vmem>>[vector<16xi32>, vector<16xi32>], vector<16xf32>,
      %mul3A_591 = arith.mulf %gather3A_589, %gather3A_590 : vector<16xf32>
      %add3A_592 = arith.addf %add3A_586, %mul3A_591 : vector<16xf32>
      %broadcast_in_dim3A_593 = arith.constant 45 : i32
      %broadcast_in_dim3A_594 = vector.broadcast %broadcast_in_dim3A_593 : i32 to vector<16xi32>
      %gather3A_595 = tpu.vector_load_idx %arg12[%add3A_322, %broadcast_in_dim3A_594] : memref<512x64xf32, #tpu.memory_space<vmem>>[vector<16xi32>, vector<16xi32>], vector<16xf32>,
      %gather3A_596 = tpu.vector_load_idx %arg13[%add3A_322, %broadcast_in_dim3A_594] : memref<512x64xf32, #tpu.memory_space<vmem>>[vector<16xi32>, vector<16xi32>], vector<16xf32>,
      %mul3A_597 = arith.mulf %gather3A_595, %gather3A_596 : vector<16xf32>
      %add3A_598 = arith.addf %add3A_592, %mul3A_597 : vector<16xf32>
      %broadcast_in_dim3A_599 = arith.constant 46 : i32
      %broadcast_in_dim3A_600 = vector.broadcast %broadcast_in_dim3A_599 : i32 to vector<16xi32>
      %gather3A_601 = tpu.vector_load_idx %arg12[%add3A_322, %broadcast_in_dim3A_600] : memref<512x64xf32, #tpu.memory_space<vmem>>[vector<16xi32>, vector<16xi32>], vector<16xf32>,
      %gather3A_602 = tpu.vector_load_idx %arg13[%add3A_322, %broadcast_in_dim3A_600] : memref<512x64xf32, #tpu.memory_space<vmem>>[vector<16xi32>, vector<16xi32>], vector<16xf32>,
      %mul3A_603 = arith.mulf %gather3A_601, %gather3A_602 : vector<16xf32>
      %add3A_604 = arith.addf %add3A_598, %mul3A_603 : vector<16xf32>
      %broadcast_in_dim3A_605 = arith.constant 47 : i32
      %broadcast_in_dim3A_606 = vector.broadcast %broadcast_in_dim3A_605 : i32 to vector<16xi32>
      %gather3A_607 = tpu.vector_load_idx %arg12[%add3A_322, %broadcast_in_dim3A_606] : memref<512x64xf32, #tpu.memory_space<vmem>>[vector<16xi32>, vector<16xi32>], vector<16xf32>,
      %gather3A_608 = tpu.vector_load_idx %arg13[%add3A_322, %broadcast_in_dim3A_606] : memref<512x64xf32, #tpu.memory_space<vmem>>[vector<16xi32>, vector<16xi32>], vector<16xf32>,
      %mul3A_609 = arith.mulf %gather3A_607, %gather3A_608 : vector<16xf32>
      %add3A_610 = arith.addf %add3A_604, %mul3A_609 : vector<16xf32>
      %broadcast_in_dim3A_611 = arith.constant 48 : i32
      %broadcast_in_dim3A_612 = vector.broadcast %broadcast_in_dim3A_611 : i32 to vector<16xi32>
      %gather3A_613 = tpu.vector_load_idx %arg12[%add3A_322, %broadcast_in_dim3A_612] : memref<512x64xf32, #tpu.memory_space<vmem>>[vector<16xi32>, vector<16xi32>], vector<16xf32>,
      %gather3A_614 = tpu.vector_load_idx %arg13[%add3A_322, %broadcast_in_dim3A_612] : memref<512x64xf32, #tpu.memory_space<vmem>>[vector<16xi32>, vector<16xi32>], vector<16xf32>,
      %mul3A_615 = arith.mulf %gather3A_613, %gather3A_614 : vector<16xf32>
      %add3A_616 = arith.addf %add3A_610, %mul3A_615 : vector<16xf32>
      %broadcast_in_dim3A_617 = arith.constant 49 : i32
      %broadcast_in_dim3A_618 = vector.broadcast %broadcast_in_dim3A_617 : i32 to vector<16xi32>
      %gather3A_619 = tpu.vector_load_idx %arg12[%add3A_322, %broadcast_in_dim3A_618] : memref<512x64xf32, #tpu.memory_space<vmem>>[vector<16xi32>, vector<16xi32>], vector<16xf32>,
      %gather3A_620 = tpu.vector_load_idx %arg13[%add3A_322, %broadcast_in_dim3A_618] : memref<512x64xf32, #tpu.memory_space<vmem>>[vector<16xi32>, vector<16xi32>], vector<16xf32>,
      %mul3A_621 = arith.mulf %gather3A_619, %gather3A_620 : vector<16xf32>
      %add3A_622 = arith.addf %add3A_616, %mul3A_621 : vector<16xf32>
      %broadcast_in_dim3A_623 = arith.constant 50 : i32
      %broadcast_in_dim3A_624 = vector.broadcast %broadcast_in_dim3A_623 : i32 to vector<16xi32>
      %gather3A_625 = tpu.vector_load_idx %arg12[%add3A_322, %broadcast_in_dim3A_624] : memref<512x64xf32, #tpu.memory_space<vmem>>[vector<16xi32>, vector<16xi32>], vector<16xf32>,
      %gather3A_626 = tpu.vector_load_idx %arg13[%add3A_322, %broadcast_in_dim3A_624] : memref<512x64xf32, #tpu.memory_space<vmem>>[vector<16xi32>, vector<16xi32>], vector<16xf32>,
      %mul3A_627 = arith.mulf %gather3A_625, %gather3A_626 : vector<16xf32>
      %add3A_628 = arith.addf %add3A_622, %mul3A_627 : vector<16xf32>
      %broadcast_in_dim3A_629 = arith.constant 51 : i32
      %broadcast_in_dim3A_630 = vector.broadcast %broadcast_in_dim3A_629 : i32 to vector<16xi32>
      %gather3A_631 = tpu.vector_load_idx %arg12[%add3A_322, %broadcast_in_dim3A_630] : memref<512x64xf32, #tpu.memory_space<vmem>>[vector<16xi32>, vector<16xi32>], vector<16xf32>,
      %gather3A_632 = tpu.vector_load_idx %arg13[%add3A_322, %broadcast_in_dim3A_630] : memref<512x64xf32, #tpu.memory_space<vmem>>[vector<16xi32>, vector<16xi32>], vector<16xf32>,
      %mul3A_633 = arith.mulf %gather3A_631, %gather3A_632 : vector<16xf32>
      %add3A_634 = arith.addf %add3A_628, %mul3A_633 : vector<16xf32>
      %broadcast_in_dim3A_635 = arith.constant 52 : i32
      %broadcast_in_dim3A_636 = vector.broadcast %broadcast_in_dim3A_635 : i32 to vector<16xi32>
      %gather3A_637 = tpu.vector_load_idx %arg12[%add3A_322, %broadcast_in_dim3A_636] : memref<512x64xf32, #tpu.memory_space<vmem>>[vector<16xi32>, vector<16xi32>], vector<16xf32>,
      %gather3A_638 = tpu.vector_load_idx %arg13[%add3A_322, %broadcast_in_dim3A_636] : memref<512x64xf32, #tpu.memory_space<vmem>>[vector<16xi32>, vector<16xi32>], vector<16xf32>,
      %mul3A_639 = arith.mulf %gather3A_637, %gather3A_638 : vector<16xf32>
      %add3A_640 = arith.addf %add3A_634, %mul3A_639 : vector<16xf32>
      %broadcast_in_dim3A_641 = arith.constant 53 : i32
      %broadcast_in_dim3A_642 = vector.broadcast %broadcast_in_dim3A_641 : i32 to vector<16xi32>
      %gather3A_643 = tpu.vector_load_idx %arg12[%add3A_322, %broadcast_in_dim3A_642] : memref<512x64xf32, #tpu.memory_space<vmem>>[vector<16xi32>, vector<16xi32>], vector<16xf32>,
      %gather3A_644 = tpu.vector_load_idx %arg13[%add3A_322, %broadcast_in_dim3A_642] : memref<512x64xf32, #tpu.memory_space<vmem>>[vector<16xi32>, vector<16xi32>], vector<16xf32>,
      %mul3A_645 = arith.mulf %gather3A_643, %gather3A_644 : vector<16xf32>
      %add3A_646 = arith.addf %add3A_640, %mul3A_645 : vector<16xf32>
      %broadcast_in_dim3A_647 = arith.constant 54 : i32
      %broadcast_in_dim3A_648 = vector.broadcast %broadcast_in_dim3A_647 : i32 to vector<16xi32>
      %gather3A_649 = tpu.vector_load_idx %arg12[%add3A_322, %broadcast_in_dim3A_648] : memref<512x64xf32, #tpu.memory_space<vmem>>[vector<16xi32>, vector<16xi32>], vector<16xf32>,
      %gather3A_650 = tpu.vector_load_idx %arg13[%add3A_322, %broadcast_in_dim3A_648] : memref<512x64xf32, #tpu.memory_space<vmem>>[vector<16xi32>, vector<16xi32>], vector<16xf32>,
      %mul3A_651 = arith.mulf %gather3A_649, %gather3A_650 : vector<16xf32>
      %add3A_652 = arith.addf %add3A_646, %mul3A_651 : vector<16xf32>
      %broadcast_in_dim3A_653 = arith.constant 55 : i32
      %broadcast_in_dim3A_654 = vector.broadcast %broadcast_in_dim3A_653 : i32 to vector<16xi32>
      %gather3A_655 = tpu.vector_load_idx %arg12[%add3A_322, %broadcast_in_dim3A_654] : memref<512x64xf32, #tpu.memory_space<vmem>>[vector<16xi32>, vector<16xi32>], vector<16xf32>,
      %gather3A_656 = tpu.vector_load_idx %arg13[%add3A_322, %broadcast_in_dim3A_654] : memref<512x64xf32, #tpu.memory_space<vmem>>[vector<16xi32>, vector<16xi32>], vector<16xf32>,
      %mul3A_657 = arith.mulf %gather3A_655, %gather3A_656 : vector<16xf32>
      %add3A_658 = arith.addf %add3A_652, %mul3A_657 : vector<16xf32>
      %broadcast_in_dim3A_659 = arith.constant 56 : i32
      %broadcast_in_dim3A_660 = vector.broadcast %broadcast_in_dim3A_659 : i32 to vector<16xi32>
      %gather3A_661 = tpu.vector_load_idx %arg12[%add3A_322, %broadcast_in_dim3A_660] : memref<512x64xf32, #tpu.memory_space<vmem>>[vector<16xi32>, vector<16xi32>], vector<16xf32>,
      %gather3A_662 = tpu.vector_load_idx %arg13[%add3A_322, %broadcast_in_dim3A_660] : memref<512x64xf32, #tpu.memory_space<vmem>>[vector<16xi32>, vector<16xi32>], vector<16xf32>,
      %mul3A_663 = arith.mulf %gather3A_661, %gather3A_662 : vector<16xf32>
      %add3A_664 = arith.addf %add3A_658, %mul3A_663 : vector<16xf32>
      %broadcast_in_dim3A_665 = arith.constant 57 : i32
      %broadcast_in_dim3A_666 = vector.broadcast %broadcast_in_dim3A_665 : i32 to vector<16xi32>
      %gather3A_667 = tpu.vector_load_idx %arg12[%add3A_322, %broadcast_in_dim3A_666] : memref<512x64xf32, #tpu.memory_space<vmem>>[vector<16xi32>, vector<16xi32>], vector<16xf32>,
      %gather3A_668 = tpu.vector_load_idx %arg13[%add3A_322, %broadcast_in_dim3A_666] : memref<512x64xf32, #tpu.memory_space<vmem>>[vector<16xi32>, vector<16xi32>], vector<16xf32>,
      %mul3A_669 = arith.mulf %gather3A_667, %gather3A_668 : vector<16xf32>
      %add3A_670 = arith.addf %add3A_664, %mul3A_669 : vector<16xf32>
      %broadcast_in_dim3A_671 = arith.constant 58 : i32
      %broadcast_in_dim3A_672 = vector.broadcast %broadcast_in_dim3A_671 : i32 to vector<16xi32>
      %gather3A_673 = tpu.vector_load_idx %arg12[%add3A_322, %broadcast_in_dim3A_672] : memref<512x64xf32, #tpu.memory_space<vmem>>[vector<16xi32>, vector<16xi32>], vector<16xf32>,
      %gather3A_674 = tpu.vector_load_idx %arg13[%add3A_322, %broadcast_in_dim3A_672] : memref<512x64xf32, #tpu.memory_space<vmem>>[vector<16xi32>, vector<16xi32>], vector<16xf32>,
      %mul3A_675 = arith.mulf %gather3A_673, %gather3A_674 : vector<16xf32>
      %add3A_676 = arith.addf %add3A_670, %mul3A_675 : vector<16xf32>
      %broadcast_in_dim3A_677 = arith.constant 59 : i32
      %broadcast_in_dim3A_678 = vector.broadcast %broadcast_in_dim3A_677 : i32 to vector<16xi32>
      %gather3A_679 = tpu.vector_load_idx %arg12[%add3A_322, %broadcast_in_dim3A_678] : memref<512x64xf32, #tpu.memory_space<vmem>>[vector<16xi32>, vector<16xi32>], vector<16xf32>,
      %gather3A_680 = tpu.vector_load_idx %arg13[%add3A_322, %broadcast_in_dim3A_678] : memref<512x64xf32, #tpu.memory_space<vmem>>[vector<16xi32>, vector<16xi32>], vector<16xf32>,
      %mul3A_681 = arith.mulf %gather3A_679, %gather3A_680 : vector<16xf32>
      %add3A_682 = arith.addf %add3A_676, %mul3A_681 : vector<16xf32>
      %broadcast_in_dim3A_683 = arith.constant 60 : i32
      %broadcast_in_dim3A_684 = vector.broadcast %broadcast_in_dim3A_683 : i32 to vector<16xi32>
      %gather3A_685 = tpu.vector_load_idx %arg12[%add3A_322, %broadcast_in_dim3A_684] : memref<512x64xf32, #tpu.memory_space<vmem>>[vector<16xi32>, vector<16xi32>], vector<16xf32>,
      %gather3A_686 = tpu.vector_load_idx %arg13[%add3A_322, %broadcast_in_dim3A_684] : memref<512x64xf32, #tpu.memory_space<vmem>>[vector<16xi32>, vector<16xi32>], vector<16xf32>,
      %mul3A_687 = arith.mulf %gather3A_685, %gather3A_686 : vector<16xf32>
      %add3A_688 = arith.addf %add3A_682, %mul3A_687 : vector<16xf32>
      %broadcast_in_dim3A_689 = arith.constant 61 : i32
      %broadcast_in_dim3A_690 = vector.broadcast %broadcast_in_dim3A_689 : i32 to vector<16xi32>
      %gather3A_691 = tpu.vector_load_idx %arg12[%add3A_322, %broadcast_in_dim3A_690] : memref<512x64xf32, #tpu.memory_space<vmem>>[vector<16xi32>, vector<16xi32>], vector<16xf32>,
      %gather3A_692 = tpu.vector_load_idx %arg13[%add3A_322, %broadcast_in_dim3A_690] : memref<512x64xf32, #tpu.memory_space<vmem>>[vector<16xi32>, vector<16xi32>], vector<16xf32>,
      %mul3A_693 = arith.mulf %gather3A_691, %gather3A_692 : vector<16xf32>
      %add3A_694 = arith.addf %add3A_688, %mul3A_693 : vector<16xf32>
      %broadcast_in_dim3A_695 = arith.constant 62 : i32
      %broadcast_in_dim3A_696 = vector.broadcast %broadcast_in_dim3A_695 : i32 to vector<16xi32>
      %gather3A_697 = tpu.vector_load_idx %arg12[%add3A_322, %broadcast_in_dim3A_696] : memref<512x64xf32, #tpu.memory_space<vmem>>[vector<16xi32>, vector<16xi32>], vector<16xf32>,
      %gather3A_698 = tpu.vector_load_idx %arg13[%add3A_322, %broadcast_in_dim3A_696] : memref<512x64xf32, #tpu.memory_space<vmem>>[vector<16xi32>, vector<16xi32>], vector<16xf32>,
      %mul3A_699 = arith.mulf %gather3A_697, %gather3A_698 : vector<16xf32>
      %add3A_700 = arith.addf %add3A_694, %mul3A_699 : vector<16xf32>
      %broadcast_in_dim3A_701 = arith.constant 63 : i32
      %broadcast_in_dim3A_702 = vector.broadcast %broadcast_in_dim3A_701 : i32 to vector<16xi32>
      %gather3A_703 = tpu.vector_load_idx %arg12[%add3A_322, %broadcast_in_dim3A_702] : memref<512x64xf32, #tpu.memory_space<vmem>>[vector<16xi32>, vector<16xi32>], vector<16xf32>,
      %gather3A_704 = tpu.vector_load_idx %arg13[%add3A_322, %broadcast_in_dim3A_702] : memref<512x64xf32, #tpu.memory_space<vmem>>[vector<16xi32>, vector<16xi32>], vector<16xf32>,
      %mul3A_705 = arith.mulf %gather3A_703, %gather3A_704 : vector<16xf32>
      %add3A_706 = arith.addf %add3A_700, %mul3A_705 : vector<16xf32>
      %get3A_707 = arith.index_cast %mul3A_320 : i32 to index
      %get3A_708 = tpu.vector_load %arg14[%get3A_707] {strides = array<i32>} : memref<512xf32, #tpu.memory_space<vmem>>, vector<16xf32>,
      %add3A_709 = arith.addf %add3A_706, %get3A_708 : vector<16xf32>
      %get3A_710 = arith.index_cast %mul3A_320 : i32 to index
      %get3A_711 = tpu.vector_load %arg15[%get3A_710] {strides = array<i32>} : memref<512xf32, #tpu.memory_space<vmem>>, vector<16xf32>,
      %add3A_712 = arith.addf %add3A_709, %get3A_711 : vector<16xf32>
      %add3A_713 = arith.addf %add3A_712, %get3A_312 : vector<16xf32>
      %swap3A = arith.index_cast %mul3A_320 : i32 to index
      %swap3A_714 = tpu.vector_load %arg17[%swap3A] {strides = array<i32>} : memref<512xf32, #tpu.memory_space<vmem>>, vector<16xf32>,
      tpu.vector_store %arg17[%swap3A], %add3A_713 {strides = array<i32>} : memref<512xf32, #tpu.memory_space<vmem>>, vector<16xf32>,
    }
    %scan3A_317 = arith.constant 32 : i32
    "tpu.region"() ({
      %run_scoped3A_318 = tpu.sem_alloc : memref<!tpu.dma_semaphore, #tpu.memory_space<semaphore_mem>>
      %dma_start3A_319 = tpu.memref_slice %arg9[%mul3A_2] : memref<16384xf32, #tpu.memory_space<hbm>> -> memref<512xf32, #tpu.memory_space<hbm>>
      %dma_start3A_320 = tpu.memref_slice %arg9[%mul3A_2] : memref<16384xf32, #tpu.memory_space<hbm>> -> memref<512xf32, #tpu.memory_space<hbm>>
      tpu.enqueue_dma source(%arg17 : memref<512xf32, #tpu.memory_space<vmem>>) target(%dma_start3A_320 : memref<512xf32, #tpu.memory_space<hbm>>) target_semaphore(%run_scoped3A_318 : memref<!tpu.dma_semaphore, #tpu.memory_space<semaphore_mem>>)
      %dma_wait3A_321 = tpu.memref_slice %arg9[%mul3A_2] : memref<16384xf32, #tpu.memory_space<hbm>> -> memref<512xf32, #tpu.memory_space<hbm>>
      %dma_wait3A_322 = tpu.memref_slice %arg9[%mul3A_2] : memref<16384xf32, #tpu.memory_space<hbm>> -> memref<512xf32, #tpu.memory_space<hbm>>
      tpu.wait_dma2 semaphore(%run_scoped3A_318 : memref<!tpu.dma_semaphore, #tpu.memory_space<semaphore_mem>>) src(%arg17 : memref<512xf32, #tpu.memory_space<vmem>>) dst(%dma_wait3A_322 : memref<512xf32, #tpu.memory_space<hbm>>)
      tpu.yield
    }) : () -> ()
    return
  }
}

</mosaic_0001>

<sc_bundles>
// kernel: _mf.3.cloned.1.call-start
scs
__scs_entry_jumppad:
0x0: {  	(pc) =	sbr.rel $0x88, $3  }
0x1: {  	(tag) =	ssettag $0x0;
	lr =	simm.s32 $0x1  }
0x2: {  	[smem:$0x3F9A] =	sst lr;
	_ =	strace $0xD0000000  }
0x3: {  	_ = 	snop  }
0x4: {  	_ = 	snop  }
0x5: {  	_ = 	snop  }
0x6: {  	_ = 	snop  }
0x7: {  	_ = 	snop  }
__scs_overlays_trampoline_lowered:
0x8: {  	[smem:$0x3FA9] =	sst s0  }
0x9: {  	[smem:$0x3FAA] =	sst s1  }
0xa: {  	[smem:$0x3FAB] =	sst s2  }
0xb: {  	[smem:$0x3FAC] =	sst s3  }
0xc: {  	[smem:$0x3FAD] =	sst s4  }
0xd: {  	[smem:$0x3FAE] =	sst s5  }
0xe: {  	[smem:$0x3FAF] =	sst s6  }
0xf: {  	[smem:$0x3FB0] =	sst s7  }
0x10: {  	[smem:$0x3FB1] =	sst s8  }
0x11: {  	[smem:$0x3FB2] =	sst s9;
	s0 =	simm.s32 @!p0 $0x0  }
0x12: {  	s1 =	sld [smem:$0x3F98];
	s0 =	simm.s32 @p0 $0x1  }
0x13: {  	[smem:$0x3FB3] =	sst s0;
	s0 =	simm.s32 @!p1 $0x0  }
0x14: {  	s2 =	sld [smem:$0x3F97];
	s0 =	simm.s32 @p1 $0x1  }
0x15: {  	[smem:$0x3FB4] =	sst s0;
	s0 =	simm.s32 @!p2 $0x0  }
0x16: {  	s3 =	sld [smem:$0x3FDB];
	s0 =	simm.s32 @p2 $0x1  }
0x17: {  	s4 =	simm.s32 $0x1BF5;
	[smem:$0x3FB6] =	sst s0  }
0x18: {  	s0 =	sld [smem:$0x3F99];
	_ =	swait.ge [sflag:s4], $0x0  }
0x19: {  	s7 =	sld [smem:$0x3F9A]  }
0x1a: {  	s8 =	sadd.s32 $0xFFFFE003, lr  }
0x1b: {  	s9 =	sadd.s32 $0xFFFFFEF7, lr;
	s5 =	simm.s32 $0xFFFFFFFF;
	p2 =	slt.u32 s8, $0xFFFFF086  }
0x1c: {  	p1 =	slt.u32 s9, $0xF7A;
	s5 =	simm.s32 @!p2 $0x0  }
0x1d: {  	s5 =	simm.s32 @p1 $0x1;
	p0 =	seq.s32 s7, s2  }
0x1e: {  	s7 =	smul.u32 @!p0 $0xF7A, s2;
	p2 =	seq.s32 @!p0 s5, $0x0  }
0x1f: {  	s9 =	smul.u32 $0xF7A, s1;
	s8 =	simm.s32 @!p0 $0x1BF5;
	p2 =	por !p2, p0  }
0x20: {  	[sflag:s8] =	ssyncset.s32 @!p0 $0xFFFFF086;
	s6 =	sadd.s32 @!p0 s3, s7;
	s7 =	simm.s32 @!p0 $0x108  }
0x21: {  	s3 =	sadd.s32 s3, s9;
	s6 =	sadd.s32 @!p0 $0x88, s6;
	s7 =	simm.s32 @p2 $0x1082  }
0x22: {  	[simem:s7], [sflag:s8] =	dma.local @!p0 [hbm:s6], $0xF7A  }
0x23: {  	s9 =	sor.u32 $0xD0000000, s2;
	s6 =	simm.s32 $0x108;
	_ =	swait.ge @!p0 [sflag:s8], $0x0  }
0x24: {  	s3 =	sadd.s32 $0x88, s3;
	s6 =	simm.s32 @!p1 $0x1082;
	[sflag:s4] =	ssyncset.s32 $0xFFFFF086  }
0x25: {  	[simem:s6], [sflag:s4] =	dma.local [hbm:s3], $0xF7A  }
0x26: {  	[smem:$0x3F9A] =	sst s1;
	(tag) =	ssettag s2;
	_ =	strace s9  }
0x27: {  	s1 =	sld [smem:$0x3FAA]  }
0x28: {  	s2 =	sld [smem:$0x3FAB]  }
0x29: {  	s4 =	sld [smem:$0x3FAD]  }
0x2a: {  	p0 =	seq.s32 s5, $0x0;
	s5 =	sld [smem:$0x3FAE]  }
0x2b: {  	s6 =	sld [smem:$0x3FAF]  }
0x2c: {  	s7 =	sld [smem:$0x3FB0]  }
0x2d: {  	s3 =	simm.s32 $0x108;
	s8 =	sld [smem:$0x3FB1]  }
0x2e: {  	s3 =	simm.s32 @!p0 $0x1082;
	s9 =	sld [smem:$0x3FB2]  }
0x2f: {  	lr =	sadd.s32 s0, s3;
	s0 =	sld [smem:$0x3FA9]  }
0x30: {  	s3 =	sld [smem:$0x3FAC]  }
0x31: {  	[smem:$0x3FB5] =	sst s10  }
0x32: {  	s10 =	sld [smem:$0x3FB3];
	_ =	sdelay $0x3  }
0x33: {  	p0 =	seq.s32 s10, $0x1;
	s10 =	sld [smem:$0x3FB5];
	_ =	sdelay $0x3  }
0x34: {  	[smem:$0x3FB5] =	sst s10  }
0x35: {  	s10 =	sld [smem:$0x3FB4];
	_ =	sdelay $0x3  }
0x36: {  	p1 =	seq.s32 s10, $0x1;
	s10 =	sld [smem:$0x3FB5];
	_ =	sdelay $0x3  }
0x37: {  	[smem:$0x3FB5] =	sst s10  }
0x38: {  	s10 =	sld [smem:$0x3FB6]  }
0x39: {  	_ = 	snop;
	(pc) =	sbr.ind lr, $3  }
0x3a: {  	_ = 	snop  }
0x3b: {  	_ = 	snop  }
0x3c: {  	p2 =	seq.s32 s10, $0x1;
	s10 =	sld [smem:$0x3FB5]  }
0x3d: {  	_ =	shalt  }
0x3e: {  	_ =	shalt  }
0x3f: {  	_ =	shalt  }
0x40: {  	_ =	shalt  }
0x41: {  	_ =	shalt  }
0x42: {  	_ =	shalt  }
0x43: {  	_ =	shalt  }
0x44: {  	_ =	shalt  }
0x45: {  	_ =	shalt  }
0x46: {  	_ =	shalt  }
0x47: {  	_ =	shalt  }
0x48: {  	_ =	shalt  }
0x49: {  	_ =	shalt  }
0x4a: {  	_ =	shalt  }
0x4b: {  	_ =	shalt  }
0x4c: {  	_ =	shalt  }
0x4d: {  	_ =	shalt  }
0x4e: {  	_ =	shalt  }
0x4f: {  	_ =	shalt  }
0x50: {  	_ =	shalt  }
0x51: {  	_ =	shalt  }
0x52: {  	_ =	shalt  }
0x53: {  	_ =	shalt  }
0x54: {  	_ =	shalt  }
0x55: {  	_ =	shalt  }
0x56: {  	_ =	shalt  }
0x57: {  	_ =	shalt  }
0x58: {  	_ =	shalt  }
0x59: {  	_ =	shalt  }
0x5a: {  	_ =	shalt  }
0x5b: {  	_ =	shalt  }
0x5c: {  	_ =	shalt  }
0x5d: {  	_ =	shalt  }
0x5e: {  	_ =	shalt  }
0x5f: {  	_ =	shalt  }
0x60: {  	_ =	shalt  }
0x61: {  	_ =	shalt  }
0x62: {  	_ =	shalt  }
0x63: {  	_ =	shalt  }
0x64: {  	_ =	shalt  }
0x65: {  	_ =	shalt  }
0x66: {  	_ =	shalt  }
0x67: {  	_ =	shalt  }
0x68: {  	_ =	shalt  }
0x69: {  	_ =	shalt  }
0x6a: {  	_ =	shalt  }
0x6b: {  	_ =	shalt  }
0x6c: {  	_ =	shalt  }
0x6d: {  	_ =	shalt  }
0x6e: {  	_ =	shalt  }
0x6f: {  	_ =	shalt  }
0x70: {  	_ =	shalt  }
0x71: {  	_ =	shalt  }
0x72: {  	_ =	shalt  }
0x73: {  	_ =	shalt  }
0x74: {  	_ =	shalt  }
0x75: {  	_ =	shalt  }
0x76: {  	_ =	shalt  }
0x77: {  	_ =	shalt  }
0x78: {  	_ =	shalt  }
0x79: {  	_ =	shalt  }
0x7a: {  	_ =	shalt  }
0x7b: {  	_ =	shalt  }
0x7c: {  	_ =	shalt  }
0x7d: {  	_ =	shalt  }
0x7e: {  	_ =	shalt  }
0x7f: {  	_ =	shalt  }
0x80: {  	_ =	shalt  }
0x81: {  	_ =	shalt  }
0x82: {  	_ =	shalt  }
0x83: {  	_ =	shalt  }
0x84: {  	_ =	shalt  }
0x85: {  	_ =	shalt  }
0x86: {  	_ =	shalt  }
0x87: {  	_ =	shalt  }
.Lfunc_end0:
.L_simem_size_0:
called_computation_lowered:
.L_overlay_start_0:
0x88: {  	s2 =	sld [smem:$0x3FD9]  }
0x89: {  	s3 =	sld [smem:$0x3FFE];
	_ =	sdelay $0x1  }
0x8a: {  	s1 =	srdreg.scid  }
0x8b: {  	s0 =	sand.u32 $0x1, s1  }
0x8c: {  	s17 =	sshll.u32 s0, $0xA;
	s2 =	sadd.s32 s3, s2  }
0x8d: {  	s2 =	sadd.s32 s2, s17  }
0x8e: {  	[smem:$0x3FC1] =	sst s2  }
0x8f: {  	_ = 	snop  }
0x90: {  	s2 =	sld [smem:$0x3FC9]  }
0x91: {  	s18 =	sld [smem:$0x3FC8]  }
0x92: {  	s4 =	sld [smem:$0x3FC5]  }
0x93: {  	s5 =	sld [smem:$0x3FC4]  }
0x94: {  	s6 =	sld [smem:$0x3FC3]  }
0x95: {  	s7 =	sld [smem:$0x3FD0];
	(tm) =	ssettm $0x1  }
0x96: {  	s8 =	sld [smem:$0x3FFB];
	_ =	sdelay $0x3  }
0x97: {  	_ =	strace s8  }
0x98: {  	s8 =	sld [smem:$0x3FFC];
	_ =	sdelay $0x3  }
0x99: {  	_ =	strace s8  }
0x9a: {  	s8 =	sld [smem:$0x3FFD];
	_ =	sdelay $0x3  }
0x9b: {  	_ =	strace s8  }
0x9c: {  	_ =	strace $0x8FFFFFFF  }
0x9d: {  	s19 =	sld [smem:$0x3FDB];
	_ =	sdelay $0x1  }
0x9e: {  	s9 =	simm.s32 $_scs_section_size  }
0x9f: {  	s10 =	simm.s32 $_size__tile_overlayer_lowered;
	s11 =	simm.s32 $_tile_overlayer_lowered  }
0xa0: {  	s22 =	simm.s32 $0x1BFF;
	s21 =	sshll.u32 s11, $0x1;
	s8 =	sadd.s32 s9, s19  }
0xa1: {  	s12 =	simm.s32 $0x0;
	s20 =	sshll.u32 s10, $0x1;
	s10 =	sadd.s32 s21, s8  }
0xa2: {  	[timem:s12], [sflag:s22] =	dma.local [hbm:s10], s20  }
0xa3: {  	_ =	swait.ge [sflag:s22], s20  }
0xa4: {  	s9 =	ssub.s32 $0x0, s20;
	[sflag:s22] =	ssyncset.done $0x0  }
0xa5: {  	[sflag:s22] =	ssyncadd.s32 s9;
	_ =	sdelay $0x1  }
0xa6: {  	s23 =	simm.s32 $0x1B8B  }
0xa7: {  	_ =	swait.ge [sflag:s23], $0x1  }
0xa8: {  	[sflag:s23] =	ssyncset.done $0x0  }
0xa9: {  	s25 =	simm.s32 $0x1B8E;
	s24 =	sld [smem:$0x3FFE];
	[sflag:s23] =	ssyncadd.s32 $0xFFFFFFFF  }
0xaa: {  	s26 =	simm.s32 $execute0_lowered;
	[smem:$0x3FD2] =	sst s25  }
0xab: {  	s10 =	sshll.u32 s26, $0x1;
	_ =	strace $0x80000046;
	[dreg:$0x1] =	wrdreg $0xFFFFFFFF  }
0xac: {  	s28 =	simm.s32 $_size_execute0_lowered;
	s8 =	sadd.s32 s8, s10;
	[dreg:$0x0] =	wrdreg $0x0  }
0xad: {  	s10 =	sshll.u32 s28, $0x1;
	[dreg:$0x2] =	wrdreg s8  }
0xae: {  	[dreg:$0x3] =	wrdreg s10  }
0xaf: {  	[dreg:$0x4] =	wrdreg $0xC0  }
0xb0: {  	_ =	task [dreg:s12], $0x5FFFF  }
0xb1: {  	[dreg:$0x1] =	wrdreg $0xFFFFFFFF  }
0xb2: {  	[dreg:$0x0] =	wrdreg $0x60  }
0xb3: {  	[dreg:$0x2] =	wrdreg s2  }
0xb4: {  	[dreg:$0x3] =	wrdreg s18  }
0xb5: {  	[dreg:$0x4] =	wrdreg s24  }
0xb6: {  	[dreg:$0x5] =	wrdreg s4  }
0xb7: {  	[dreg:$0x6] =	wrdreg s5  }
0xb8: {  	[dreg:$0x7] =	wrdreg s6  }
0xb9: {  	[dreg:$0x8] =	wrdreg s7  }
0xba: {  	[dreg:$0x9] =	wrdreg $0x9  }
0xbb: {  	_ =	task.clear_ibuf [dreg:s12], $0xAFFFF;
	_ =	strace $0x90000046  }
0xbc: {  	s29 =	simm.s32 $0x9;
	_ =	strace $0x80000048  }
0xbd: {  	_ =	swait.ge [sflag:s29], $0x1  }
0xbe: {  	[sflag:s29] =	ssyncadd.s32 $0xFFFFFFFF  }
0xbf: {  	_ =	strace $0x90000048  }
0xc0: {  	_ =	sfence  }
0xc1: {  	s30 =	sld [smem:$0x0];
	_ =	sdelay $0x2  }
0xc2: {  	s31 =	sshll.u32 s1, $0xD;
	s1 =	sshrl.u32 s1, $0x2  }
0xc3: {  	s3 =	sand.u32 $0x4000, s31;
	s1 =	sadd.s32 s1, s30  }
0xc4: {  	s0 =	sor.u32 s3, s0;
	s1 =	sshll.u32 s1, $0x11  }
0xc5: {  	s0 =	sor.u32 s1, s0  }
0xc6: {  	s0 =	sadd.s32 $0x8F2B, s0  }
0xc7: {  	[sflag:s0] =	ssyncadd.remote.s32 $0x1  }
0xc8: {  	_ =	sfence.sel $0xFFFF  }
0xc9: {  	[dreg:$0x0] =	wrdreg $0xFFFFFFFF;
	(pc) =	sbr.abs _section_cstart, $3  }
0xca: {  	[dreg:$0x1] =	wrdreg $0xFFFFFFFF  }
0xcb: {  	_ =	task.clear_ibuf [dreg:s12], $0x2FFFF;
	_ =	strace $0x9FFFFFFF  }
0xcc: {  	(tm) =	ssettm $0x7FFFFFFF  }
0xcd: {  	_ =	shalt  }
tec
execute0_lowered:
.L_overlay_start_1:
0x0: {  	(tag) =	ssettag $0x1  }
0x1: {  	s0 =	rddreg [dreg:$0x0]  }
0x2: {  	s3 =	rddreg [dreg:$0x1]  }
0x3: {  	s5 =	rddreg [dreg:$0x2]  }
0x4: {  	s1 =	rddreg [dreg:$0x3]  }
0x5: {  	s2 =	rddreg [dreg:$0x4]  }
0x6: {  	s8 =	rddreg [dreg:$0x6];
	s4 =	simm.s32 $0x0;
	s6 =	srdreg.scid  }
0x7: {  	s11 =	stileid.u32;
	s18 =	simm.s32 $0x2;
	s19 =	simm.s32 $0x200  }
0x8: {  	s20 =	simm.s32 $0x80;
	s21 =	simm.s32 $0x280;
	s22 =	simm.s32 $0x100  }
0x9: {  	s23 =	simm.s32 $0x300;
	s24 =	simm.s32 $0x180;
	s28 =	simm.s32 $0x400  }
0xa: {  	s29 =	simm.s32 $0x8400;
	s30 =	simm.s32 $0x1;
	s31 =	simm.s32 $0x10810  }
0xb: {  	[smem:$0x7FF] =	sst s4;
	s7 =	sand.u32 $0x1, s6;
	s6 =	sadd.s32 $0xF42800, s5  }
0xc: {  	s11 =	sshll.u32 s11, $0x7;
	s9 =	ssub.s32 $0x2, s7;
	s12 =	sshll.u32 s7, $0x6  }
0xd: {  	_ =	strace $0x80000047;
	s10 =	sshrl.u32 s9, $0x1;
	s16 =	sor.u32 s12, s11  }
0xe: {  	s7 =	sadd.s32 $0x16E3A00, s5;
	s25 =	ssub.s32 s9, s10;
	s26 =	sadd.s32 s0, s16  }
0xf: {  	s9 =	sadd.s32 s3, s16;
	s11 =	sor.u32 $0x10, s16;
	s13 =	sor.u32 $0x20, s16  }
0x10: {  	s15 =	sor.u32 $0x30, s16;
	s16 =	sadd.s32 s8, s16;
	[dreg:$0x8] =	wrdreg s26  }
0x11: {  	v0 =	vlaneseq.u32;
	s10 =	sadd.s32 s0, s11;
	s11 =	sadd.s32 s3, s11;
	s12 =	sadd.s32 s0, s13  }
0x12: {  	v0 =	vmul.u32 $0x40, v0;
	s13 =	sadd.s32 s3, s13;
	s14 =	sadd.s32 s0, s15;
	s15 =	sadd.s32 s3, s15  }
0x13: {  	s17 =	smax.u32 s25, $0x1;
	s25 =	simm.s32 $0x380;
	s0 =	simm.s32 $0x0  }
.LBB2_1:
0x14: {  	s3 =	rddreg [dreg:$0x8]  }
0x15: {  	[tilespmem:s4], [sflag:$0x2] =	stream.linear.gather [hbm4b:s3+s4], $0x80, $0x38;
	[tilespmem:$0x10A10] =	vst v63  }
0x16: {  	_ =	swait.ge [sflag:s18], $0x80  }
0x17: {  	[sflag:s18] =	ssyncset.done $0x0  }
0x18: {  	[sflag:s18] =	ssyncadd.s32 $0xFFFFFF80  }
0x19: {  	[tilespmem:s19], [sflag:$0x2] =	stream.linear.gather [hbm4b:s9+s4], $0x80, $0x38;
	[tilespmem:$0x10A10] =	vst v63  }
0x1a: {  	_ =	swait.ge [sflag:s18], $0x80  }
0x1b: {  	[sflag:s18] =	ssyncset.done $0x0  }
0x1c: {  	[sflag:s18] =	ssyncadd.s32 $0xFFFFFF80  }
0x1d: {  	[tilespmem:s20], [sflag:$0x2] =	stream.linear.gather [hbm4b:s10+s4], $0x80, $0x38;
	[tilespmem:$0x10A10] =	vst v63  }
0x1e: {  	_ =	swait.ge [sflag:s18], $0x80  }
0x1f: {  	[sflag:s18] =	ssyncset.done $0x0  }
0x20: {  	[sflag:s18] =	ssyncadd.s32 $0xFFFFFF80  }
0x21: {  	[tilespmem:s21], [sflag:$0x2] =	stream.linear.gather [hbm4b:s11+s4], $0x80, $0x38;
	[tilespmem:$0x10A10] =	vst v63  }
0x22: {  	_ =	swait.ge [sflag:s18], $0x80  }
0x23: {  	[sflag:s18] =	ssyncset.done $0x0  }
0x24: {  	[sflag:s18] =	ssyncadd.s32 $0xFFFFFF80  }
0x25: {  	[tilespmem:s22], [sflag:$0x2] =	stream.linear.gather [hbm4b:s12+s4], $0x80, $0x38;
	[tilespmem:$0x10A10] =	vst v63  }
0x26: {  	_ =	swait.ge [sflag:s18], $0x80  }
0x27: {  	[sflag:s18] =	ssyncset.done $0x0  }
0x28: {  	[sflag:s18] =	ssyncadd.s32 $0xFFFFFF80  }
0x29: {  	[tilespmem:s23], [sflag:$0x2] =	stream.linear.gather [hbm4b:s13+s4], $0x80, $0x38;
	[tilespmem:$0x10A10] =	vst v63  }
0x2a: {  	_ =	swait.ge [sflag:s18], $0x80  }
0x2b: {  	[sflag:s18] =	ssyncset.done $0x0  }
0x2c: {  	[sflag:s18] =	ssyncadd.s32 $0xFFFFFF80  }
0x2d: {  	[tilespmem:s24], [sflag:$0x2] =	stream.linear.gather [hbm4b:s14+s4], $0x80, $0x38;
	[tilespmem:$0x10A10] =	vst v63  }
0x2e: {  	_ =	swait.ge [sflag:s18], $0x80  }
0x2f: {  	[sflag:s18] =	ssyncset.done $0x0  }
0x30: {  	[sflag:s18] =	ssyncadd.s32 $0xFFFFFF80  }
0x31: {  	[tilespmem:s25], [sflag:$0x2] =	stream.linear.gather [hbm4b:s15+s4], $0x80, $0x38;
	[tilespmem:$0x10A10] =	vst v63  }
0x32: {  	_ =	swait.ge [sflag:s18], $0x80  }
0x33: {  	[sflag:s18] =	ssyncset.done $0x0  }
0x34: {  	[sflag:s18] =	ssyncadd.s32 $0xFFFFFF80  }
0x35: {  	s5 =	simm.s32 $0x10800;
	s8 =	rddreg [dreg:$0x5]  }
0x36: {  	[tilespmem:s5], [sflag:$0x2] =	stream.linear.gather [hbm4b:s8+s4], $0x10, $0x38;
	[tilespmem:$0x10A10] =	vst v63  }
0x37: {  	_ =	swait.ge [sflag:s18], $0x10  }
0x38: {  	[sflag:s18] =	ssyncset.done $0x0  }
0x39: {  	[sflag:s18] =	ssyncadd.s32 $0xFFFFFFF0  }
0x3a: {  	[tilespmem:s28], [sflag:$0x1] =	stream.indirect.gather [hbm4b:s6+s20], $0x40, s4, s20, $0xb8;
	[tilespmem:$0x10A10] =	vst v63  }
0x3b: {  	_ = 	snop  }
0x3c: {  	[tilespmem:s29], [sflag:$0x1] =	stream.indirect.gather [hbm4b:s7+s20], $0x40, s19, s20, $0xb8;
	[tilespmem:$0x10A10] =	vst v63  }
0x3d: {  	s5 =	simm.s32 $0x10400  }
0x3e: {  	[tilespmem:s5], [sflag:$0x1] =	stream.indirect.gather [hbm4b:s1+s20], $0x1, s4, s20, $0xb8;
	[tilespmem:$0x10A10] =	vst v63  }
0x3f: {  	s3 =	simm.s32 $0x10600  }
0x40: {  	[tilespmem:s3], [sflag:$0x1] =	stream.indirect.gather [hbm4b:s2+s20], $0x1, s19, s20, $0xb8;
	[tilespmem:$0x10A10] =	vst v63  }
0x41: {  	s8 =	simm.s32 $0x2400  }
0x42: {  	[tilespmem:s8], [sflag:$0x1] =	stream.indirect.gather [hbm4b:s6+s20], $0x40, s20, s20, $0xb8;
	[tilespmem:$0x10A10] =	vst v63  }
0x43: {  	s26 =	simm.s32 $0xA400  }
0x44: {  	[tilespmem:s26], [sflag:$0x1] =	stream.indirect.gather [hbm4b:s7+s20], $0x40, s21, s20, $0xb8;
	[tilespmem:$0x10A10] =	vst v63  }
0x45: {  	s26 =	simm.s32 $0x10480  }
0x46: {  	[tilespmem:s26], [sflag:$0x1] =	stream.indirect.gather [hbm4b:s1+s20], $0x1, s20, s20, $0xb8;
	[tilespmem:$0x10A10] =	vst v63  }
0x47: {  	s26 =	simm.s32 $0x10680  }
0x48: {  	[tilespmem:s26], [sflag:$0x1] =	stream.indirect.gather [hbm4b:s2+s20], $0x1, s21, s20, $0xb8;
	[tilespmem:$0x10A10] =	vst v63  }
0x49: {  	s26 =	simm.s32 $0x4400  }
0x4a: {  	[tilespmem:s26], [sflag:$0x1] =	stream.indirect.gather [hbm4b:s6+s20], $0x40, s22, s20, $0xb8;
	[tilespmem:$0x10A10] =	vst v63  }
0x4b: {  	s26 =	simm.s32 $0xC400  }
0x4c: {  	[tilespmem:s26], [sflag:$0x1] =	stream.indirect.gather [hbm4b:s7+s20], $0x40, s23, s20, $0xb8;
	[tilespmem:$0x10A10] =	vst v63  }
0x4d: {  	s26 =	simm.s32 $0x10500  }
0x4e: {  	[tilespmem:s26], [sflag:$0x1] =	stream.indirect.gather [hbm4b:s1+s20], $0x1, s22, s20, $0xb8;
	[tilespmem:$0x10A10] =	vst v63  }
0x4f: {  	s26 =	simm.s32 $0x10700  }
0x50: {  	[tilespmem:s26], [sflag:$0x1] =	stream.indirect.gather [hbm4b:s2+s20], $0x1, s23, s20, $0xb8;
	[tilespmem:$0x10A10] =	vst v63  }
0x51: {  	s26 =	simm.s32 $0x6400  }
0x52: {  	[tilespmem:s26], [sflag:$0x1] =	stream.indirect.gather [hbm4b:s6+s20], $0x40, s24, s20, $0xb8;
	[tilespmem:$0x10A10] =	vst v63  }
0x53: {  	s26 =	simm.s32 $0xE400  }
0x54: {  	[tilespmem:s26], [sflag:$0x1] =	stream.indirect.gather [hbm4b:s7+s20], $0x40, s25, s20, $0xb8;
	[tilespmem:$0x10A10] =	vst v63  }
0x55: {  	s26 =	simm.s32 $0x10580  }
0x56: {  	[tilespmem:s26], [sflag:$0x1] =	stream.indirect.gather [hbm4b:s1+s20], $0x1, s24, s20, $0xb8;
	[tilespmem:$0x10A10] =	vst v63  }
0x57: {  	s26 =	simm.s32 $0x10780  }
0x58: {  	[tilespmem:s26], [sflag:$0x1] =	stream.indirect.gather [hbm4b:s2+s20], $0x1, s25, s20, $0xb8;
	[tilespmem:$0x10A10] =	vst v63  }
0x59: {  	_ =	swait.ge [sflag:s30], $0x2000  }
0x5a: {  	[sflag:s30] =	ssyncset.done $0x0  }
0x5b: {  	[sflag:s30] =	ssyncadd.s32 $0xFFFFE000  }
0x5c: {  	_ =	swait.ge [sflag:s30], $0x2000  }
0x5d: {  	[sflag:s30] =	ssyncset.done $0x0  }
0x5e: {  	[sflag:s30] =	ssyncadd.s32 $0xFFFFE000  }
0x5f: {  	_ =	swait.ge [sflag:s30], $0x80  }
0x60: {  	[sflag:s30] =	ssyncset.done $0x0  }
0x61: {  	[sflag:s30] =	ssyncadd.s32 $0xFFFFFF80  }
0x62: {  	_ =	swait.ge [sflag:s30], $0x80  }
0x63: {  	[sflag:s30] =	ssyncset.done $0x0  }
0x64: {  	[sflag:s30] =	ssyncadd.s32 $0xFFFFFF80  }
0x65: {  	_ =	swait.ge [sflag:s30], $0x2000  }
0x66: {  	[sflag:s30] =	ssyncset.done $0x0  }
0x67: {  	[sflag:s30] =	ssyncadd.s32 $0xFFFFE000  }
0x68: {  	_ =	swait.ge [sflag:s30], $0x2000  }
0x69: {  	[sflag:s30] =	ssyncset.done $0x0  }
0x6a: {  	[sflag:s30] =	ssyncadd.s32 $0xFFFFE000  }
0x6b: {  	_ =	swait.ge [sflag:s30], $0x80  }
0x6c: {  	[sflag:s30] =	ssyncset.done $0x0  }
0x6d: {  	[sflag:s30] =	ssyncadd.s32 $0xFFFFFF80  }
0x6e: {  	_ =	swait.ge [sflag:s30], $0x80  }
0x6f: {  	[sflag:s30] =	ssyncset.done $0x0  }
0x70: {  	[sflag:s30] =	ssyncadd.s32 $0xFFFFFF80  }
0x71: {  	_ =	swait.ge [sflag:s30], $0x2000  }
0x72: {  	[sflag:s30] =	ssyncset.done $0x0  }
0x73: {  	[sflag:s30] =	ssyncadd.s32 $0xFFFFE000  }
0x74: {  	_ =	swait.ge [sflag:s30], $0x2000  }
0x75: {  	[sflag:s30] =	ssyncset.done $0x0  }
0x76: {  	[sflag:s30] =	ssyncadd.s32 $0xFFFFE000  }
0x77: {  	_ =	swait.ge [sflag:s30], $0x80  }
0x78: {  	[sflag:s30] =	ssyncset.done $0x0  }
0x79: {  	[sflag:s30] =	ssyncadd.s32 $0xFFFFFF80  }
0x7a: {  	_ =	swait.ge [sflag:s30], $0x80  }
0x7b: {  	[sflag:s30] =	ssyncset.done $0x0  }
0x7c: {  	[sflag:s30] =	ssyncadd.s32 $0xFFFFFF80  }
0x7d: {  	_ =	swait.ge [sflag:s30], $0x2000  }
0x7e: {  	[sflag:s30] =	ssyncset.done $0x0  }
0x7f: {  	[sflag:s30] =	ssyncadd.s32 $0xFFFFE000  }
0x80: {  	_ =	swait.ge [sflag:s30], $0x2000  }
0x81: {  	[sflag:s30] =	ssyncset.done $0x0  }
0x82: {  	v1 =	vmov s4;
	[sflag:s30] =	ssyncadd.s32 $0xFFFFE000  }
0x83: {  	v1 =	vshll.u32 v1, $0x6;
	_ =	swait.ge [sflag:s30], $0x80  }
0x84: {  	v1 =	vor.u32 v0, v1;
	[sflag:s30] =	ssyncset.done $0x0  }
0x85: {  	[sflag:s30] =	ssyncadd.s32 $0xFFFFFF80  }
0x86: {  	v2 =	vor.u32 $0x1, v1;
	_ =	swait.ge [sflag:s30], $0x80  }
0x87: {  	[sflag:s30] =	ssyncset.done $0x0  }
0x88: {  	v3 =	vor.u32 $0x2, v1;
	[sflag:s30] =	ssyncadd.s32 $0xFFFFFF80  }
0x89: {  	v4 =	vld.idx.msk [tilespmem:v1+s29+$0x0], $0xffff  }
0x8a: {  	v6 =	vor.u32 $0x3, v1;
	v5 =	vld.idx.msk [tilespmem:v1+s28+$0x0], $0xffff  }
0x8b: {  	v7 =	vld.idx.msk [tilespmem:v2+s28+$0x0], $0xffff  }
0x8c: {  	v8 =	vor.u32 $0x4, v1;
	v2 =	vld.idx.msk [tilespmem:v2+s29+$0x0], $0xffff  }
0x8d: {  	v9 =	vld.idx.msk [tilespmem:v3+s28+$0x0], $0xffff  }
0x8e: {  	v10 =	vor.u32 $0x5, v1;
	v3 =	vld.idx.msk [tilespmem:v3+s29+$0x0], $0xffff  }
0x8f: {  	v11 =	vld.idx.msk [tilespmem:v6+s28+$0x0], $0xffff;
	v4 =	vmul.f32 v4, v5  }
0x90: {  	v5 =	vld.idx.msk [tilespmem:v6+s29+$0x0], $0xffff;
	v6 =	vor.u32 $0x6, v1  }
0x91: {  	v12 =	vld.idx.msk [tilespmem:v8+s28+$0x0], $0xffff;
	v2 =	vmul.f32 v2, v7;
	v4 =	vadd.f32 $0.0e+00, v4  }
0x92: {  	v40 =	vor.u32 $0x7, v1;
	v7 =	vld.idx.msk [tilespmem:v8+s29+$0x0], $0xffff  }
0x93: {  	v13 =	vld.idx.msk [tilespmem:v10+s28+$0x0], $0xffff;
	v3 =	vmul.f32 v3, v9;
	v2 =	vadd.f32 v2, v4  }
0x94: {  	v41 =	vor.u32 $0x8, v1;
	v4 =	vld.idx.msk [tilespmem:v10+s29+$0x0], $0xffff  }
0x95: {  	v42 =	vld.idx.msk [tilespmem:v6+s28+$0x0], $0xffff;
	v2 =	vadd.f32 v3, v2;
	v3 =	vmul.f32 v5, v11  }
0x96: {  	v5 =	vld.idx.msk [tilespmem:v6+s29+$0x0], $0xffff;
	v6 =	vor.u32 $0x9, v1  }
0x97: {  	v43 =	vld.idx.msk [tilespmem:v40+s28+$0x0], $0xffff;
	v2 =	vadd.f32 v3, v2;
	v3 =	vmul.f32 v7, v12  }
0x98: {  	v44 =	vor.u32 $0xA, v1;
	v7 =	vld.idx.msk [tilespmem:v40+s29+$0x0], $0xffff  }
0x99: {  	v45 =	vld.idx.msk [tilespmem:v41+s28+$0x0], $0xffff;
	v2 =	vadd.f32 v3, v2;
	v3 =	vmul.f32 v4, v13  }
0x9a: {  	v46 =	vor.u32 $0xB, v1;
	v4 =	vld.idx.msk [tilespmem:v41+s29+$0x0], $0xffff  }
0x9b: {  	v47 =	vld.idx.msk [tilespmem:v6+s28+$0x0], $0xffff;
	v2 =	vadd.f32 v3, v2;
	v3 =	vmul.f32 v5, v42  }
0x9c: {  	v5 =	vld.idx.msk [tilespmem:v6+s29+$0x0], $0xffff;
	v6 =	vor.u32 $0xC, v1  }
0x9d: {  	v48 =	vld.idx.msk [tilespmem:v44+s28+$0x0], $0xffff;
	v2 =	vadd.f32 v3, v2;
	v3 =	vmul.f32 v7, v43  }
0x9e: {  	v49 =	vor.u32 $0xD, v1;
	v7 =	vld.idx.msk [tilespmem:v44+s29+$0x0], $0xffff  }
0x9f: {  	v50 =	vld.idx.msk [tilespmem:v46+s28+$0x0], $0xffff;
	v2 =	vadd.f32 v3, v2;
	v3 =	vmul.f32 v4, v45  }
0xa0: {  	v51 =	vor.u32 $0xE, v1;
	v4 =	vld.idx.msk [tilespmem:v46+s29+$0x0], $0xffff  }
0xa1: {  	v52 =	vld.idx.msk [tilespmem:v6+s28+$0x0], $0xffff;
	v2 =	vadd.f32 v3, v2;
	v3 =	vmul.f32 v5, v47  }
0xa2: {  	v5 =	vld.idx.msk [tilespmem:v6+s29+$0x0], $0xffff;
	v6 =	vor.u32 $0xF, v1  }
0xa3: {  	v53 =	vld.idx.msk [tilespmem:v49+s28+$0x0], $0xffff;
	v2 =	vadd.f32 v3, v2;
	v3 =	vmul.f32 v7, v48  }
0xa4: {  	v54 =	vor.u32 $0x10, v1;
	v7 =	vld.idx.msk [tilespmem:v49+s29+$0x0], $0xffff  }
0xa5: {  	v55 =	vld.idx.msk [tilespmem:v51+s28+$0x0], $0xffff;
	v2 =	vadd.f32 v3, v2;
	v3 =	vmul.f32 v4, v50  }
0xa6: {  	v56 =	vor.u32 $0x11, v1;
	v4 =	vld.idx.msk [tilespmem:v51+s29+$0x0], $0xffff  }
0xa7: {  	v57 =	vld.idx.msk [tilespmem:v6+s28+$0x0], $0xffff;
	v2 =	vadd.f32 v3, v2;
	v3 =	vmul.f32 v5, v52  }
0xa8: {  	v5 =	vld.idx.msk [tilespmem:v6+s29+$0x0], $0xffff;
	v6 =	vor.u32 $0x12, v1  }
0xa9: {  	v58 =	vld.idx.msk [tilespmem:v54+s28+$0x0], $0xffff;
	v2 =	vadd.f32 v3, v2;
	v3 =	vmul.f32 v7, v53  }
0xaa: {  	v59 =	vor.u32 $0x13, v1;
	v7 =	vld.idx.msk [tilespmem:v54+s29+$0x0], $0xffff  }
0xab: {  	v60 =	vld.idx.msk [tilespmem:v56+s28+$0x0], $0xffff;
	v2 =	vadd.f32 v3, v2;
	v3 =	vmul.f32 v4, v55  }
0xac: {  	v61 =	vor.u32 $0x14, v1;
	v4 =	vld.idx.msk [tilespmem:v56+s29+$0x0], $0xffff  }
0xad: {  	v62 =	vld.idx.msk [tilespmem:v6+s28+$0x0], $0xffff;
	v2 =	vadd.f32 v3, v2;
	v3 =	vmul.f32 v5, v57  }
0xae: {  	v5 =	vld.idx.msk [tilespmem:v6+s29+$0x0], $0xffff;
	v6 =	vor.u32 $0x15, v1  }
0xaf: {  	v63 =	vld.idx.msk [tilespmem:v59+s28+$0x0], $0xffff;
	v2 =	vadd.f32 v3, v2;
	v3 =	vmul.f32 v7, v58  }
0xb0: {  	v16 =	vor.u32 $0x16, v1;
	v7 =	vld.idx.msk [tilespmem:v59+s29+$0x0], $0xffff  }
0xb1: {  	v17 =	vld.idx.msk [tilespmem:v61+s28+$0x0], $0xffff;
	v2 =	vadd.f32 v3, v2;
	v3 =	vmul.f32 v4, v60  }
0xb2: {  	v18 =	vor.u32 $0x17, v1;
	v4 =	vld.idx.msk [tilespmem:v61+s29+$0x0], $0xffff  }
0xb3: {  	v19 =	vld.idx.msk [tilespmem:v6+s28+$0x0], $0xffff;
	v2 =	vadd.f32 v3, v2;
	v3 =	vmul.f32 v5, v62  }
0xb4: {  	v5 =	vld.idx.msk [tilespmem:v6+s29+$0x0], $0xffff;
	v6 =	vor.u32 $0x18, v1  }
0xb5: {  	v20 =	vld.idx.msk [tilespmem:v16+s28+$0x0], $0xffff;
	v2 =	vadd.f32 v3, v2;
	v3 =	vmul.f32 v7, v63  }
0xb6: {  	v21 =	vor.u32 $0x19, v1;
	v7 =	vld.idx.msk [tilespmem:v16+s29+$0x0], $0xffff  }
0xb7: {  	v22 =	vld.idx.msk [tilespmem:v18+s28+$0x0], $0xffff;
	v2 =	vadd.f32 v3, v2;
	v3 =	vmul.f32 v4, v17  }
0xb8: {  	v23 =	vor.u32 $0x1A, v1;
	v4 =	vld.idx.msk [tilespmem:v18+s29+$0x0], $0xffff  }
0xb9: {  	v24 =	vld.idx.msk [tilespmem:v6+s28+$0x0], $0xffff;
	v2 =	vadd.f32 v3, v2;
	v3 =	vmul.f32 v5, v19  }
0xba: {  	v5 =	vld.idx.msk [tilespmem:v6+s29+$0x0], $0xffff;
	v6 =	vor.u32 $0x1B, v1  }
0xbb: {  	v25 =	vld.idx.msk [tilespmem:v21+s28+$0x0], $0xffff;
	v2 =	vadd.f32 v3, v2;
	v3 =	vmul.f32 v7, v20  }
0xbc: {  	v26 =	vor.u32 $0x1C, v1;
	v7 =	vld.idx.msk [tilespmem:v21+s29+$0x0], $0xffff  }
0xbd: {  	v27 =	vld.idx.msk [tilespmem:v23+s28+$0x0], $0xffff;
	v2 =	vadd.f32 v3, v2;
	v3 =	vmul.f32 v4, v22  }
0xbe: {  	v28 =	vor.u32 $0x1D, v1;
	v4 =	vld.idx.msk [tilespmem:v23+s29+$0x0], $0xffff  }
0xbf: {  	v29 =	vld.idx.msk [tilespmem:v6+s28+$0x0], $0xffff;
	v2 =	vadd.f32 v3, v2;
	v3 =	vmul.f32 v5, v24  }
0xc0: {  	v5 =	vld.idx.msk [tilespmem:v6+s29+$0x0], $0xffff;
	v6 =	vor.u32 $0x1E, v1  }
0xc1: {  	v30 =	vld.idx.msk [tilespmem:v26+s28+$0x0], $0xffff;
	v2 =	vadd.f32 v3, v2;
	v3 =	vmul.f32 v7, v25  }
0xc2: {  	v31 =	vor.u32 $0x1F, v1;
	v7 =	vld.idx.msk [tilespmem:v26+s29+$0x0], $0xffff  }
0xc3: {  	v32 =	vld.idx.msk [tilespmem:v28+s28+$0x0], $0xffff;
	v2 =	vadd.f32 v3, v2;
	v3 =	vmul.f32 v4, v27  }
0xc4: {  	v33 =	vor.u32 $0x20, v1;
	v4 =	vld.idx.msk [tilespmem:v28+s29+$0x0], $0xffff  }
0xc5: {  	v34 =	vld.idx.msk [tilespmem:v6+s28+$0x0], $0xffff;
	v2 =	vadd.f32 v3, v2;
	v3 =	vmul.f32 v5, v29  }
0xc6: {  	v5 =	vld.idx.msk [tilespmem:v6+s29+$0x0], $0xffff;
	v6 =	vor.u32 $0x21, v1  }
0xc7: {  	v35 =	vld.idx.msk [tilespmem:v31+s28+$0x0], $0xffff;
	v2 =	vadd.f32 v3, v2;
	v3 =	vmul.f32 v7, v30  }
0xc8: {  	v36 =	vor.u32 $0x22, v1;
	v7 =	vld.idx.msk [tilespmem:v31+s29+$0x0], $0xffff  }
0xc9: {  	v37 =	vld.idx.msk [tilespmem:v33+s28+$0x0], $0xffff;
	v2 =	vadd.f32 v3, v2;
	v3 =	vmul.f32 v4, v32  }
0xca: {  	v38 =	vor.u32 $0x23, v1;
	v4 =	vld.idx.msk [tilespmem:v33+s29+$0x0], $0xffff  }
0xcb: {  	v39 =	vld.idx.msk [tilespmem:v6+s28+$0x0], $0xffff;
	v2 =	vadd.f32 v3, v2;
	v3 =	vmul.f32 v5, v34  }
0xcc: {  	v5 =	vld.idx.msk [tilespmem:v6+s29+$0x0], $0xffff;
	v6 =	vor.u32 $0x24, v1  }
0xcd: {  	v40 =	vld.idx.msk [tilespmem:v36+s28+$0x0], $0xffff;
	v2 =	vadd.f32 v3, v2;
	v3 =	vmul.f32 v7, v35  }
0xce: {  	v41 =	vor.u32 $0x25, v1;
	v7 =	vld.idx.msk [tilespmem:v36+s29+$0x0], $0xffff  }
0xcf: {  	v42 =	vld.idx.msk [tilespmem:v38+s28+$0x0], $0xffff;
	v2 =	vadd.f32 v3, v2;
	v3 =	vmul.f32 v4, v37  }
0xd0: {  	v43 =	vor.u32 $0x26, v1;
	v4 =	vld.idx.msk [tilespmem:v38+s29+$0x0], $0xffff  }
0xd1: {  	v44 =	vld.idx.msk [tilespmem:v6+s28+$0x0], $0xffff;
	v2 =	vadd.f32 v3, v2;
	v3 =	vmul.f32 v5, v39  }
0xd2: {  	v5 =	vld.idx.msk [tilespmem:v6+s29+$0x0], $0xffff;
	v6 =	vor.u32 $0x27, v1  }
0xd3: {  	v45 =	vld.idx.msk [tilespmem:v41+s28+$0x0], $0xffff;
	v2 =	vadd.f32 v3, v2;
	v3 =	vmul.f32 v7, v40  }
0xd4: {  	v46 =	vor.u32 $0x28, v1;
	v7 =	vld.idx.msk [tilespmem:v41+s29+$0x0], $0xffff  }
0xd5: {  	v47 =	vld.idx.msk [tilespmem:v43+s28+$0x0], $0xffff;
	v2 =	vadd.f32 v3, v2;
	v3 =	vmul.f32 v4, v42  }
0xd6: {  	v48 =	vor.u32 $0x29, v1;
	v4 =	vld.idx.msk [tilespmem:v43+s29+$0x0], $0xffff  }
0xd7: {  	v49 =	vld.idx.msk [tilespmem:v6+s28+$0x0], $0xffff;
	v2 =	vadd.f32 v3, v2;
	v3 =	vmul.f32 v5, v44  }
0xd8: {  	v5 =	vld.idx.msk [tilespmem:v6+s29+$0x0], $0xffff;
	v6 =	vor.u32 $0x2A, v1  }
0xd9: {  	v50 =	vld.idx.msk [tilespmem:v46+s28+$0x0], $0xffff;
	v2 =	vadd.f32 v3, v2;
	v3 =	vmul.f32 v7, v45  }
0xda: {  	v51 =	vor.u32 $0x2B, v1;
	v7 =	vld.idx.msk [tilespmem:v46+s29+$0x0], $0xffff  }
0xdb: {  	v52 =	vld.idx.msk [tilespmem:v48+s28+$0x0], $0xffff;
	v2 =	vadd.f32 v3, v2;
	v3 =	vmul.f32 v4, v47  }
0xdc: {  	v53 =	vor.u32 $0x2C, v1;
	v4 =	vld.idx.msk [tilespmem:v48+s29+$0x0], $0xffff  }
0xdd: {  	v54 =	vld.idx.msk [tilespmem:v6+s28+$0x0], $0xffff;
	v2 =	vadd.f32 v3, v2;
	v3 =	vmul.f32 v5, v49  }
0xde: {  	v5 =	vld.idx.msk [tilespmem:v6+s29+$0x0], $0xffff;
	v6 =	vor.u32 $0x2D, v1  }
0xdf: {  	v55 =	vld.idx.msk [tilespmem:v51+s28+$0x0], $0xffff;
	v2 =	vadd.f32 v3, v2;
	v3 =	vmul.f32 v7, v50  }
0xe0: {  	v56 =	vor.u32 $0x2E, v1;
	v7 =	vld.idx.msk [tilespmem:v51+s29+$0x0], $0xffff  }
0xe1: {  	v57 =	vld.idx.msk [tilespmem:v53+s28+$0x0], $0xffff;
	v2 =	vadd.f32 v3, v2;
	v3 =	vmul.f32 v4, v52  }
0xe2: {  	v58 =	vor.u32 $0x2F, v1;
	v4 =	vld.idx.msk [tilespmem:v53+s29+$0x0], $0xffff  }
0xe3: {  	v59 =	vld.idx.msk [tilespmem:v6+s28+$0x0], $0xffff;
	v2 =	vadd.f32 v3, v2;
	v3 =	vmul.f32 v5, v54  }
0xe4: {  	v5 =	vld.idx.msk [tilespmem:v6+s29+$0x0], $0xffff;
	v6 =	vor.u32 $0x30, v1  }
0xe5: {  	v60 =	vld.idx.msk [tilespmem:v56+s28+$0x0], $0xffff;
	v2 =	vadd.f32 v3, v2;
	v3 =	vmul.f32 v7, v55  }
0xe6: {  	v61 =	vor.u32 $0x31, v1;
	v7 =	vld.idx.msk [tilespmem:v56+s29+$0x0], $0xffff  }
0xe7: {  	v62 =	vld.idx.msk [tilespmem:v58+s28+$0x0], $0xffff;
	v2 =	vadd.f32 v3, v2;
	v3 =	vmul.f32 v4, v57  }
0xe8: {  	v63 =	vor.u32 $0x32, v1;
	v4 =	vld.idx.msk [tilespmem:v58+s29+$0x0], $0xffff  }
0xe9: {  	v16 =	vld.idx.msk [tilespmem:v6+s28+$0x0], $0xffff;
	v2 =	vadd.f32 v3, v2;
	v3 =	vmul.f32 v5, v59  }
0xea: {  	v5 =	vld.idx.msk [tilespmem:v6+s29+$0x0], $0xffff;
	v6 =	vor.u32 $0x33, v1  }
0xeb: {  	v17 =	vld.idx.msk [tilespmem:v61+s28+$0x0], $0xffff;
	v2 =	vadd.f32 v3, v2;
	v3 =	vmul.f32 v7, v60  }
0xec: {  	v18 =	vor.u32 $0x34, v1;
	v7 =	vld.idx.msk [tilespmem:v61+s29+$0x0], $0xffff  }
0xed: {  	v19 =	vld.idx.msk [tilespmem:v63+s28+$0x0], $0xffff;
	v2 =	vadd.f32 v3, v2;
	v3 =	vmul.f32 v4, v62  }
0xee: {  	v20 =	vor.u32 $0x35, v1;
	v4 =	vld.idx.msk [tilespmem:v63+s29+$0x0], $0xffff  }
0xef: {  	v21 =	vld.idx.msk [tilespmem:v6+s28+$0x0], $0xffff;
	v2 =	vadd.f32 v3, v2;
	v3 =	vmul.f32 v5, v16  }
0xf0: {  	v5 =	vld.idx.msk [tilespmem:v6+s29+$0x0], $0xffff;
	v6 =	vor.u32 $0x36, v1  }
0xf1: {  	v22 =	vld.idx.msk [tilespmem:v18+s28+$0x0], $0xffff;
	v2 =	vadd.f32 v3, v2;
	v3 =	vmul.f32 v7, v17  }
0xf2: {  	v23 =	vor.u32 $0x37, v1;
	v7 =	vld.idx.msk [tilespmem:v18+s29+$0x0], $0xffff  }
0xf3: {  	v24 =	vld.idx.msk [tilespmem:v20+s28+$0x0], $0xffff;
	v2 =	vadd.f32 v3, v2;
	v3 =	vmul.f32 v4, v19  }
0xf4: {  	v25 =	vor.u32 $0x38, v1;
	v4 =	vld.idx.msk [tilespmem:v20+s29+$0x0], $0xffff  }
0xf5: {  	v26 =	vld.idx.msk [tilespmem:v6+s28+$0x0], $0xffff;
	v2 =	vadd.f32 v3, v2;
	v3 =	vmul.f32 v5, v21  }
0xf6: {  	v5 =	vld.idx.msk [tilespmem:v6+s29+$0x0], $0xffff;
	v6 =	vor.u32 $0x39, v1  }
0xf7: {  	v27 =	vld.idx.msk [tilespmem:v23+s28+$0x0], $0xffff;
	v2 =	vadd.f32 v3, v2;
	v3 =	vmul.f32 v7, v22  }
0xf8: {  	v28 =	vor.u32 $0x3A, v1;
	v7 =	vld.idx.msk [tilespmem:v23+s29+$0x0], $0xffff  }
0xf9: {  	v29 =	vld.idx.msk [tilespmem:v25+s28+$0x0], $0xffff;
	v2 =	vadd.f32 v3, v2;
	v3 =	vmul.f32 v4, v24  }
0xfa: {  	v30 =	vor.u32 $0x3B, v1;
	v4 =	vld.idx.msk [tilespmem:v25+s29+$0x0], $0xffff  }
0xfb: {  	v31 =	vld.idx.msk [tilespmem:v6+s28+$0x0], $0xffff;
	v2 =	vadd.f32 v3, v2;
	v3 =	vmul.f32 v5, v26  }
0xfc: {  	v5 =	vld.idx.msk [tilespmem:v6+s29+$0x0], $0xffff;
	v6 =	vor.u32 $0x3C, v1  }
0xfd: {  	v32 =	vld.idx.msk [tilespmem:v28+s28+$0x0], $0xffff;
	v2 =	vadd.f32 v3, v2;
	v3 =	vmul.f32 v7, v27  }
0xfe: {  	v33 =	vor.u32 $0x3D, v1;
	v7 =	vld.idx.msk [tilespmem:v28+s29+$0x0], $0xffff  }
0xff: {  	v34 =	vld.idx.msk [tilespmem:v30+s28+$0x0], $0xffff;
	v2 =	vadd.f32 v3, v2;
	v3 =	vmul.f32 v4, v29  }
0x100: {  	v35 =	vor.u32 $0x3E, v1;
	v4 =	vld.idx.msk [tilespmem:v30+s29+$0x0], $0xffff  }
0x101: {  	v36 =	vld.idx.msk [tilespmem:v6+s28+$0x0], $0xffff;
	v2 =	vadd.f32 v3, v2;
	v3 =	vmul.f32 v5, v31  }
0x102: {  	v1 =	vor.u32 $0x3F, v1;
	v5 =	vld.idx.msk [tilespmem:v6+s29+$0x0], $0xffff  }
0x103: {  	v6 =	vld.idx.msk [tilespmem:v33+s28+$0x0], $0xffff;
	v2 =	vadd.f32 v3, v2;
	v3 =	vmul.f32 v7, v32  }
0x104: {  	v7 =	vld.idx.msk [tilespmem:v33+s29+$0x0], $0xffff  }
0x105: {  	v37 =	vld.idx.msk [tilespmem:v35+s28+$0x0], $0xffff;
	v2 =	vadd.f32 v3, v2;
	v3 =	vmul.f32 v4, v34  }
0x106: {  	v4 =	vld.idx.msk [tilespmem:v35+s29+$0x0], $0xffff  }
0x107: {  	v38 =	vld.idx.msk [tilespmem:v1+s28+$0x0], $0xffff;
	v2 =	vadd.f32 v3, v2;
	v3 =	vmul.f32 v5, v36  }
0x108: {  	v1 =	vld.idx.msk [tilespmem:v1+s29+$0x0], $0xffff  }
0x109: {  	v2 =	vadd.f32 v3, v2;
	v3 =	vmul.f32 v7, v6;
	_ =	sdelay $0x1  }
0x10a: {  	v2 =	vadd.f32 v3, v2;
	v3 =	vmul.f32 v4, v37  }
0x10b: {  	v4 =	vld [tilespmem:s5+$0x0]  }
0x10c: {  	v1 =	vmul.f32 v1, v38;
	v2 =	vadd.f32 v3, v2  }
0x10d: {  	v3 =	vld [tilespmem:s3+$0x0]  }
0x10e: {  	v2 =	vadd.f32 v1, v2  }
0x10f: {  	s8 =	simm.s32 $0x10;
	v1 =	vld [tilespmem:$0x10800]  }
0x110: {  	v5 =	vmov s8;
	v4 =	vadd.f32 v2, v4  }
0x111: {  	v2 =	vshll.u32 v5, $0x6  }
0x112: {  	v2 =	vor.u32 v0, v2;
	v3 =	vadd.f32 v4, v3;
	_ =	sdelay $0x1  }
0x113: {  	v4 =	vor.u32 $0x1, v2;
	v3 =	vadd.f32 v3, v1;
	_ =	sdelay $0x1  }
0x114: {  	v5 =	vor.u32 $0x2, v2;
	[tilespmem:s31+$0x0] =	vst v3  }
0x115: {  	v3 =	vld.idx.msk [tilespmem:v2+s29+$0x0], $0xffff  }
0x116: {  	v7 =	vor.u32 $0x3, v2;
	v6 =	vld.idx.msk [tilespmem:v2+s28+$0x0], $0xffff  }
0x117: {  	v39 =	vld.idx.msk [tilespmem:v4+s28+$0x0], $0xffff  }
0x118: {  	v40 =	vor.u32 $0x4, v2;
	v4 =	vld.idx.msk [tilespmem:v4+s29+$0x0], $0xffff  }
0x119: {  	v41 =	vld.idx.msk [tilespmem:v5+s28+$0x0], $0xffff  }
0x11a: {  	v42 =	vor.u32 $0x5, v2;
	v5 =	vld.idx.msk [tilespmem:v5+s29+$0x0], $0xffff  }
0x11b: {  	v43 =	vld.idx.msk [tilespmem:v7+s28+$0x0], $0xffff;
	v3 =	vmul.f32 v3, v6  }
0x11c: {  	v6 =	vld.idx.msk [tilespmem:v7+s29+$0x0], $0xffff;
	v7 =	vor.u32 $0x6, v2  }
0x11d: {  	v44 =	vld.idx.msk [tilespmem:v40+s28+$0x0], $0xffff;
	v4 =	vmul.f32 v4, v39;
	v3 =	vadd.f32 $0.0e+00, v3  }
0x11e: {  	v46 =	vor.u32 $0x7, v2;
	v45 =	vld.idx.msk [tilespmem:v40+s29+$0x0], $0xffff  }
0x11f: {  	v14 =	vld.idx.msk [tilespmem:v42+s28+$0x0], $0xffff;
	v3 =	vadd.f32 v4, v3;
	v4 =	vmul.f32 v5, v41  }
0x120: {  	v47 =	vor.u32 $0x8, v2;
	v5 =	vld.idx.msk [tilespmem:v42+s29+$0x0], $0xffff  }
0x121: {  	v48 =	vld.idx.msk [tilespmem:v7+s28+$0x0], $0xffff;
	v3 =	vadd.f32 v4, v3;
	v4 =	vmul.f32 v6, v43  }
0x122: {  	v6 =	vld.idx.msk [tilespmem:v7+s29+$0x0], $0xffff;
	v7 =	vor.u32 $0x9, v2  }
0x123: {  	v49 =	vld.idx.msk [tilespmem:v46+s28+$0x0], $0xffff;
	v3 =	vadd.f32 v4, v3;
	v4 =	vmul.f32 v45, v44  }
0x124: {  	v51 =	vor.u32 $0xA, v2;
	v50 =	vld.idx.msk [tilespmem:v46+s29+$0x0], $0xffff  }
0x125: {  	v52 =	vld.idx.msk [tilespmem:v47+s28+$0x0], $0xffff;
	v3 =	vadd.f32 v4, v3;
	v4 =	vmul.f32 v5, v14  }
0x126: {  	v53 =	vor.u32 $0xB, v2;
	v5 =	vld.idx.msk [tilespmem:v47+s29+$0x0], $0xffff  }
0x127: {  	v54 =	vld.idx.msk [tilespmem:v7+s28+$0x0], $0xffff;
	v3 =	vadd.f32 v4, v3;
	v4 =	vmul.f32 v6, v48  }
0x128: {  	v6 =	vld.idx.msk [tilespmem:v7+s29+$0x0], $0xffff;
	v7 =	vor.u32 $0xC, v2  }
0x129: {  	v55 =	vld.idx.msk [tilespmem:v51+s28+$0x0], $0xffff;
	v3 =	vadd.f32 v4, v3;
	v4 =	vmul.f32 v50, v49  }
0x12a: {  	v57 =	vor.u32 $0xD, v2;
	v56 =	vld.idx.msk [tilespmem:v51+s29+$0x0], $0xffff  }
0x12b: {  	v58 =	vld.idx.msk [tilespmem:v53+s28+$0x0], $0xffff;
	v3 =	vadd.f32 v4, v3;
	v4 =	vmul.f32 v5, v52  }
0x12c: {  	v59 =	vor.u32 $0xE, v2;
	v5 =	vld.idx.msk [tilespmem:v53+s29+$0x0], $0xffff  }
0x12d: {  	v60 =	vld.idx.msk [tilespmem:v7+s28+$0x0], $0xffff;
	v3 =	vadd.f32 v4, v3;
	v4 =	vmul.f32 v6, v54  }
0x12e: {  	v6 =	vld.idx.msk [tilespmem:v7+s29+$0x0], $0xffff;
	v7 =	vor.u32 $0xF, v2  }
0x12f: {  	v61 =	vld.idx.msk [tilespmem:v57+s28+$0x0], $0xffff;
	v3 =	vadd.f32 v4, v3;
	v4 =	vmul.f32 v56, v55  }
0x130: {  	v63 =	vor.u32 $0x10, v2;
	v62 =	vld.idx.msk [tilespmem:v57+s29+$0x0], $0xffff  }
0x131: {  	v16 =	vld.idx.msk [tilespmem:v59+s28+$0x0], $0xffff;
	v3 =	vadd.f32 v4, v3;
	v4 =	vmul.f32 v5, v58  }
0x132: {  	v17 =	vor.u32 $0x11, v2;
	v5 =	vld.idx.msk [tilespmem:v59+s29+$0x0], $0xffff  }
0x133: {  	v18 =	vld.idx.msk [tilespmem:v7+s28+$0x0], $0xffff;
	v3 =	vadd.f32 v4, v3;
	v4 =	vmul.f32 v6, v60  }
0x134: {  	v6 =	vld.idx.msk [tilespmem:v7+s29+$0x0], $0xffff;
	v7 =	vor.u32 $0x12, v2  }
0x135: {  	v19 =	vld.idx.msk [tilespmem:v63+s28+$0x0], $0xffff;
	v3 =	vadd.f32 v4, v3;
	v4 =	vmul.f32 v62, v61  }
0x136: {  	v21 =	vor.u32 $0x13, v2;
	v20 =	vld.idx.msk [tilespmem:v63+s29+$0x0], $0xffff  }
0x137: {  	v22 =	vld.idx.msk [tilespmem:v17+s28+$0x0], $0xffff;
	v3 =	vadd.f32 v4, v3;
	v4 =	vmul.f32 v5, v16  }
0x138: {  	v23 =	vor.u32 $0x14, v2;
	v5 =	vld.idx.msk [tilespmem:v17+s29+$0x0], $0xffff  }
0x139: {  	v24 =	vld.idx.msk [tilespmem:v7+s28+$0x0], $0xffff;
	v3 =	vadd.f32 v4, v3;
	v4 =	vmul.f32 v6, v18  }
0x13a: {  	v6 =	vld.idx.msk [tilespmem:v7+s29+$0x0], $0xffff;
	v7 =	vor.u32 $0x15, v2  }
0x13b: {  	v25 =	vld.idx.msk [tilespmem:v21+s28+$0x0], $0xffff;
	v3 =	vadd.f32 v4, v3;
	v4 =	vmul.f32 v20, v19  }
0x13c: {  	v27 =	vor.u32 $0x16, v2;
	v26 =	vld.idx.msk [tilespmem:v21+s29+$0x0], $0xffff  }
0x13d: {  	v28 =	vld.idx.msk [tilespmem:v23+s28+$0x0], $0xffff;
	v3 =	vadd.f32 v4, v3;
	v4 =	vmul.f32 v5, v22  }
0x13e: {  	v29 =	vor.u32 $0x17, v2;
	v5 =	vld.idx.msk [tilespmem:v23+s29+$0x0], $0xffff  }
0x13f: {  	v30 =	vld.idx.msk [tilespmem:v7+s28+$0x0], $0xffff;
	v3 =	vadd.f32 v4, v3;
	v4 =	vmul.f32 v6, v24  }
0x140: {  	v6 =	vld.idx.msk [tilespmem:v7+s29+$0x0], $0xffff;
	v7 =	vor.u32 $0x18, v2  }
0x141: {  	v31 =	vld.idx.msk [tilespmem:v27+s28+$0x0], $0xffff;
	v3 =	vadd.f32 v4, v3;
	v4 =	vmul.f32 v26, v25  }
0x142: {  	v33 =	vor.u32 $0x19, v2;
	v32 =	vld.idx.msk [tilespmem:v27+s29+$0x0], $0xffff  }
0x143: {  	v34 =	vld.idx.msk [tilespmem:v29+s28+$0x0], $0xffff;
	v3 =	vadd.f32 v4, v3;
	v4 =	vmul.f32 v5, v28  }
0x144: {  	v35 =	vor.u32 $0x1A, v2;
	v5 =	vld.idx.msk [tilespmem:v29+s29+$0x0], $0xffff  }
0x145: {  	v36 =	vld.idx.msk [tilespmem:v7+s28+$0x0], $0xffff;
	v3 =	vadd.f32 v4, v3;
	v4 =	vmul.f32 v6, v30  }
0x146: {  	v6 =	vld.idx.msk [tilespmem:v7+s29+$0x0], $0xffff;
	v7 =	vor.u32 $0x1B, v2  }
0x147: {  	v37 =	vld.idx.msk [tilespmem:v33+s28+$0x0], $0xffff;
	v3 =	vadd.f32 v4, v3;
	v4 =	vmul.f32 v32, v31  }
0x148: {  	v38 =	vld.idx.msk [tilespmem:v33+s29+$0x0], $0xffff;
	v39 =	vor.u32 $0x1C, v2  }
0x149: {  	v40 =	vld.idx.msk [tilespmem:v35+s28+$0x0], $0xffff;
	v3 =	vadd.f32 v4, v3;
	v4 =	vmul.f32 v5, v34  }
0x14a: {  	v41 =	vor.u32 $0x1D, v2;
	v5 =	vld.idx.msk [tilespmem:v35+s29+$0x0], $0xffff  }
0x14b: {  	v42 =	vld.idx.msk [tilespmem:v7+s28+$0x0], $0xffff;
	v3 =	vadd.f32 v4, v3;
	v4 =	vmul.f32 v6, v36  }
0x14c: {  	v6 =	vld.idx.msk [tilespmem:v7+s29+$0x0], $0xffff;
	v7 =	vor.u32 $0x1E, v2  }
0x14d: {  	v43 =	vld.idx.msk [tilespmem:v39+s28+$0x0], $0xffff;
	v3 =	vadd.f32 v4, v3;
	v4 =	vmul.f32 v38, v37  }
0x14e: {  	v44 =	vld.idx.msk [tilespmem:v39+s29+$0x0], $0xffff;
	v45 =	vor.u32 $0x1F, v2  }
0x14f: {  	v46 =	vld.idx.msk [tilespmem:v41+s28+$0x0], $0xffff;
	v3 =	vadd.f32 v4, v3;
	v4 =	vmul.f32 v5, v40  }
0x150: {  	v47 =	vor.u32 $0x20, v2;
	v5 =	vld.idx.msk [tilespmem:v41+s29+$0x0], $0xffff  }
0x151: {  	v48 =	vld.idx.msk [tilespmem:v7+s28+$0x0], $0xffff;
	v3 =	vadd.f32 v4, v3;
	v4 =	vmul.f32 v6, v42  }
0x152: {  	v6 =	vld.idx.msk [tilespmem:v7+s29+$0x0], $0xffff;
	v7 =	vor.u32 $0x21, v2  }
0x153: {  	v49 =	vld.idx.msk [tilespmem:v45+s28+$0x0], $0xffff;
	v3 =	vadd.f32 v4, v3;
	v4 =	vmul.f32 v44, v43  }
0x154: {  	v51 =	vor.u32 $0x22, v2;
	v50 =	vld.idx.msk [tilespmem:v45+s29+$0x0], $0xffff  }
0x155: {  	v52 =	vld.idx.msk [tilespmem:v47+s28+$0x0], $0xffff;
	v3 =	vadd.f32 v4, v3;
	v4 =	vmul.f32 v5, v46  }
0x156: {  	v53 =	vor.u32 $0x23, v2;
	v5 =	vld.idx.msk [tilespmem:v47+s29+$0x0], $0xffff  }
0x157: {  	v54 =	vld.idx.msk [tilespmem:v7+s28+$0x0], $0xffff;
	v3 =	vadd.f32 v4, v3;
	v4 =	vmul.f32 v6, v48  }
0x158: {  	v6 =	vld.idx.msk [tilespmem:v7+s29+$0x0], $0xffff;
	v7 =	vor.u32 $0x24, v2  }
0x159: {  	v55 =	vld.idx.msk [tilespmem:v51+s28+$0x0], $0xffff;
	v3 =	vadd.f32 v4, v3;
	v4 =	vmul.f32 v50, v49  }
0x15a: {  	v57 =	vor.u32 $0x25, v2;
	v56 =	vld.idx.msk [tilespmem:v51+s29+$0x0], $0xffff  }
0x15b: {  	v58 =	vld.idx.msk [tilespmem:v53+s28+$0x0], $0xffff;
	v3 =	vadd.f32 v4, v3;
	v4 =	vmul.f32 v5, v52  }
0x15c: {  	v59 =	vor.u32 $0x26, v2;
	v5 =	vld.idx.msk [tilespmem:v53+s29+$0x0], $0xffff  }
0x15d: {  	v60 =	vld.idx.msk [tilespmem:v7+s28+$0x0], $0xffff;
	v3 =	vadd.f32 v4, v3;
	v4 =	vmul.f32 v6, v54  }
0x15e: {  	v6 =	vld.idx.msk [tilespmem:v7+s29+$0x0], $0xffff;
	v7 =	vor.u32 $0x27, v2  }
0x15f: {  	v61 =	vld.idx.msk [tilespmem:v57+s28+$0x0], $0xffff;
	v3 =	vadd.f32 v4, v3;
	v4 =	vmul.f32 v56, v55  }
0x160: {  	v63 =	vor.u32 $0x28, v2;
	v62 =	vld.idx.msk [tilespmem:v57+s29+$0x0], $0xffff  }
0x161: {  	v16 =	vld.idx.msk [tilespmem:v59+s28+$0x0], $0xffff;
	v3 =	vadd.f32 v4, v3;
	v4 =	vmul.f32 v5, v58  }
0x162: {  	v17 =	vor.u32 $0x29, v2;
	v5 =	vld.idx.msk [tilespmem:v59+s29+$0x0], $0xffff  }
0x163: {  	v18 =	vld.idx.msk [tilespmem:v7+s28+$0x0], $0xffff;
	v3 =	vadd.f32 v4, v3;
	v4 =	vmul.f32 v6, v60  }
0x164: {  	v6 =	vld.idx.msk [tilespmem:v7+s29+$0x0], $0xffff;
	v7 =	vor.u32 $0x2A, v2  }
0x165: {  	v19 =	vld.idx.msk [tilespmem:v63+s28+$0x0], $0xffff;
	v3 =	vadd.f32 v4, v3;
	v4 =	vmul.f32 v62, v61  }
0x166: {  	v21 =	vor.u32 $0x2B, v2;
	v20 =	vld.idx.msk [tilespmem:v63+s29+$0x0], $0xffff  }
0x167: {  	v22 =	vld.idx.msk [tilespmem:v17+s28+$0x0], $0xffff;
	v3 =	vadd.f32 v4, v3;
	v4 =	vmul.f32 v5, v16  }
0x168: {  	v23 =	vor.u32 $0x2C, v2;
	v5 =	vld.idx.msk [tilespmem:v17+s29+$0x0], $0xffff  }
0x169: {  	v24 =	vld.idx.msk [tilespmem:v7+s28+$0x0], $0xffff;
	v3 =	vadd.f32 v4, v3;
	v4 =	vmul.f32 v6, v18  }
0x16a: {  	v6 =	vld.idx.msk [tilespmem:v7+s29+$0x0], $0xffff;
	v7 =	vor.u32 $0x2D, v2  }
0x16b: {  	v25 =	vld.idx.msk [tilespmem:v21+s28+$0x0], $0xffff;
	v3 =	vadd.f32 v4, v3;
	v4 =	vmul.f32 v20, v19  }
0x16c: {  	v27 =	vor.u32 $0x2E, v2;
	v26 =	vld.idx.msk [tilespmem:v21+s29+$0x0], $0xffff  }
0x16d: {  	v28 =	vld.idx.msk [tilespmem:v23+s28+$0x0], $0xffff;
	v3 =	vadd.f32 v4, v3;
	v4 =	vmul.f32 v5, v22  }
0x16e: {  	v29 =	vor.u32 $0x2F, v2;
	v5 =	vld.idx.msk [tilespmem:v23+s29+$0x0], $0xffff  }
0x16f: {  	v30 =	vld.idx.msk [tilespmem:v7+s28+$0x0], $0xffff;
	v3 =	vadd.f32 v4, v3;
	v4 =	vmul.f32 v6, v24  }
0x170: {  	v6 =	vld.idx.msk [tilespmem:v7+s29+$0x0], $0xffff;
	v7 =	vor.u32 $0x30, v2  }
0x171: {  	v31 =	vld.idx.msk [tilespmem:v27+s28+$0x0], $0xffff;
	v3 =	vadd.f32 v4, v3;
	v4 =	vmul.f32 v26, v25  }
0x172: {  	v33 =	vor.u32 $0x31, v2;
	v32 =	vld.idx.msk [tilespmem:v27+s29+$0x0], $0xffff  }
0x173: {  	v34 =	vld.idx.msk [tilespmem:v29+s28+$0x0], $0xffff;
	v3 =	vadd.f32 v4, v3;
	v4 =	vmul.f32 v5, v28  }
0x174: {  	v35 =	vor.u32 $0x32, v2;
	v5 =	vld.idx.msk [tilespmem:v29+s29+$0x0], $0xffff  }
0x175: {  	v36 =	vld.idx.msk [tilespmem:v7+s28+$0x0], $0xffff;
	v3 =	vadd.f32 v4, v3;
	v4 =	vmul.f32 v6, v30  }
0x176: {  	v6 =	vld.idx.msk [tilespmem:v7+s29+$0x0], $0xffff;
	v7 =	vor.u32 $0x33, v2  }
0x177: {  	v37 =	vld.idx.msk [tilespmem:v33+s28+$0x0], $0xffff;
	v3 =	vadd.f32 v4, v3;
	v4 =	vmul.f32 v32, v31  }
0x178: {  	v39 =	vor.u32 $0x34, v2;
	v38 =	vld.idx.msk [tilespmem:v33+s29+$0x0], $0xffff  }
0x179: {  	v40 =	vld.idx.msk [tilespmem:v35+s28+$0x0], $0xffff;
	v3 =	vadd.f32 v4, v3;
	v4 =	vmul.f32 v5, v34  }
0x17a: {  	v41 =	vor.u32 $0x35, v2;
	v5 =	vld.idx.msk [tilespmem:v35+s29+$0x0], $0xffff  }
0x17b: {  	v42 =	vld.idx.msk [tilespmem:v7+s28+$0x0], $0xffff;
	v3 =	vadd.f32 v4, v3;
	v4 =	vmul.f32 v6, v36  }
0x17c: {  	v6 =	vld.idx.msk [tilespmem:v7+s29+$0x0], $0xffff;
	v7 =	vor.u32 $0x36, v2  }
0x17d: {  	v43 =	vld.idx.msk [tilespmem:v39+s28+$0x0], $0xffff;
	v3 =	vadd.f32 v4, v3;
	v4 =	vmul.f32 v38, v37  }
0x17e: {  	v45 =	vor.u32 $0x37, v2;
	v44 =	vld.idx.msk [tilespmem:v39+s29+$0x0], $0xffff  }
0x17f: {  	v46 =	vld.idx.msk [tilespmem:v41+s28+$0x0], $0xffff;
	v3 =	vadd.f32 v4, v3;
	v4 =	vmul.f32 v5, v40  }
0x180: {  	v47 =	vor.u32 $0x38, v2;
	v5 =	vld.idx.msk [tilespmem:v41+s29+$0x0], $0xffff  }
0x181: {  	v48 =	vld.idx.msk [tilespmem:v7+s28+$0x0], $0xffff;
	v3 =	vadd.f32 v4, v3;
	v4 =	vmul.f32 v6, v42  }
0x182: {  	v6 =	vld.idx.msk [tilespmem:v7+s29+$0x0], $0xffff;
	v7 =	vor.u32 $0x39, v2  }
0x183: {  	v49 =	vld.idx.msk [tilespmem:v45+s28+$0x0], $0xffff;
	v3 =	vadd.f32 v4, v3;
	v4 =	vmul.f32 v44, v43  }
0x184: {  	v51 =	vor.u32 $0x3A, v2;
	v50 =	vld.idx.msk [tilespmem:v45+s29+$0x0], $0xffff  }
0x185: {  	v52 =	vld.idx.msk [tilespmem:v47+s28+$0x0], $0xffff;
	v3 =	vadd.f32 v4, v3;
	v4 =	vmul.f32 v5, v46  }
0x186: {  	v53 =	vor.u32 $0x3B, v2;
	v5 =	vld.idx.msk [tilespmem:v47+s29+$0x0], $0xffff  }
0x187: {  	v54 =	vld.idx.msk [tilespmem:v7+s28+$0x0], $0xffff;
	v3 =	vadd.f32 v4, v3;
	v4 =	vmul.f32 v6, v48  }
0x188: {  	v6 =	vld.idx.msk [tilespmem:v7+s29+$0x0], $0xffff;
	v7 =	vor.u32 $0x3C, v2  }
0x189: {  	v55 =	vld.idx.msk [tilespmem:v51+s28+$0x0], $0xffff;
	v3 =	vadd.f32 v4, v3;
	v4 =	vmul.f32 v50, v49  }
0x18a: {  	v57 =	vor.u32 $0x3D, v2;
	v56 =	vld.idx.msk [tilespmem:v51+s29+$0x0], $0xffff  }
0x18b: {  	v58 =	vld.idx.msk [tilespmem:v53+s28+$0x0], $0xffff;
	v3 =	vadd.f32 v4, v3;
	v4 =	vmul.f32 v5, v52  }
0x18c: {  	v59 =	vor.u32 $0x3E, v2;
	v5 =	vld.idx.msk [tilespmem:v53+s29+$0x0], $0xffff  }
0x18d: {  	v60 =	vld.idx.msk [tilespmem:v7+s28+$0x0], $0xffff;
	v3 =	vadd.f32 v4, v3;
	v4 =	vmul.f32 v6, v54  }
0x18e: {  	v2 =	vor.u32 $0x3F, v2;
	v6 =	vld.idx.msk [tilespmem:v7+s29+$0x0], $0xffff  }
0x18f: {  	v61 =	vld.idx.msk [tilespmem:v57+s29+$0x0], $0xffff;
	v3 =	vadd.f32 v4, v3;
	v4 =	vmul.f32 v56, v55  }
0x190: {  	v7 =	vld.idx.msk [tilespmem:v57+s28+$0x0], $0xffff  }
0x191: {  	v62 =	vld.idx.msk [tilespmem:v59+s28+$0x0], $0xffff;
	v3 =	vadd.f32 v4, v3;
	v4 =	vmul.f32 v5, v58  }
0x192: {  	v5 =	vld.idx.msk [tilespmem:v59+s29+$0x0], $0xffff  }
0x193: {  	v63 =	vld.idx.msk [tilespmem:v2+s28+$0x0], $0xffff;
	v3 =	vadd.f32 v4, v3;
	v4 =	vmul.f32 v6, v60  }
0x194: {  	v2 =	vld.idx.msk [tilespmem:v2+s29+$0x0], $0xffff  }
0x195: {  	v3 =	vadd.f32 v4, v3;
	v4 =	vmul.f32 v61, v7;
	_ =	sdelay $0x1  }
0x196: {  	v3 =	vadd.f32 v4, v3;
	v4 =	vmul.f32 v5, v62  }
0x197: {  	s5 =	simm.s32 $0x10410  }
0x198: {  	v2 =	vmul.f32 v2, v63;
	v5 =	vld [tilespmem:s5+$0x0];
	v3 =	vadd.f32 v4, v3  }
0x199: {  	s3 =	simm.s32 $0x10610  }
0x19a: {  	v2 =	vadd.f32 v2, v3;
	v3 =	vld [tilespmem:s3+$0x0];
	_ =	sdelay $0x1  }
0x19b: {  	s26 =	simm.s32 $0x20  }
0x19c: {  	v6 =	vmov s26;
	v4 =	vadd.f32 v2, v5  }
0x19d: {  	s8 =	simm.s32 $0x30;
	s26 =	simm.s32 $0x10810;
	v2 =	vshll.u32 v6, $0x6  }
.LBB2_2:
0x19e: {  	p0 =	sne.s32 s8, $0x1F0;
	v2 =	vor.u32 v0, v2;
	v3 =	vadd.f32 v4, v3;
	_ =	sdelay $0x1  }
0x19f: {  	v4 =	vor.u32 $0x1, v2;
	v3 =	vadd.f32 v3, v1  }
0x1a0: {  	s26 =	sadd.s32 $0x10, s26  }
0x1a1: {  	v5 =	vor.u32 $0x2, v2;
	[tilespmem:s26+$0x0] =	vst v3  }
0x1a2: {  	v3 =	vld.idx.msk [tilespmem:v2+s29+$0x0], $0xffff  }
0x1a3: {  	v7 =	vor.u32 $0x3, v2;
	v6 =	vld.idx.msk [tilespmem:v2+s28+$0x0], $0xffff  }
0x1a4: {  	v8 =	vld.idx.msk [tilespmem:v4+s28+$0x0], $0xffff  }
0x1a5: {  	v9 =	vor.u32 $0x4, v2;
	v4 =	vld.idx.msk [tilespmem:v4+s29+$0x0], $0xffff  }
0x1a6: {  	v10 =	vld.idx.msk [tilespmem:v5+s28+$0x0], $0xffff  }
0x1a7: {  	v11 =	vor.u32 $0x5, v2;
	v5 =	vld.idx.msk [tilespmem:v5+s29+$0x0], $0xffff  }
0x1a8: {  	v12 =	vld.idx.msk [tilespmem:v7+s28+$0x0], $0xffff  }
0x1a9: {  	v3 =	vmul.f32 v3, v6;
	v6 =	vld.idx.msk [tilespmem:v7+s29+$0x0], $0xffff;
	v7 =	vor.u32 $0x6, v2  }
0x1aa: {  	v13 =	vld.idx.msk [tilespmem:v9+s28+$0x0], $0xffff  }
0x1ab: {  	v3 =	vadd.f32 $0.0e+00, v3;
	v4 =	vmul.f32 v4, v8;
	v8 =	vld.idx.msk [tilespmem:v9+s29+$0x0], $0xffff;
	v9 =	vor.u32 $0x7, v2  }
0x1ac: {  	v14 =	vld.idx.msk [tilespmem:v11+s28+$0x0], $0xffff  }
0x1ad: {  	v3 =	vadd.f32 v4, v3;
	v4 =	vmul.f32 v5, v10;
	v10 =	vor.u32 $0x8, v2;
	v5 =	vld.idx.msk [tilespmem:v11+s29+$0x0], $0xffff  }
0x1ae: {  	v11 =	vld.idx.msk [tilespmem:v7+s28+$0x0], $0xffff  }
0x1af: {  	v3 =	vadd.f32 v4, v3;
	v4 =	vmul.f32 v6, v12;
	v6 =	vld.idx.msk [tilespmem:v7+s29+$0x0], $0xffff;
	v7 =	vor.u32 $0x9, v2  }
0x1b0: {  	v12 =	vld.idx.msk [tilespmem:v9+s28+$0x0], $0xffff  }
0x1b1: {  	v3 =	vadd.f32 v4, v3;
	v4 =	vmul.f32 v8, v13;
	v8 =	vld.idx.msk [tilespmem:v9+s29+$0x0], $0xffff;
	v9 =	vor.u32 $0xA, v2  }
0x1b2: {  	v13 =	vld.idx.msk [tilespmem:v10+s28+$0x0], $0xffff  }
0x1b3: {  	v3 =	vadd.f32 v4, v3;
	v4 =	vmul.f32 v5, v14;
	v5 =	vld.idx.msk [tilespmem:v10+s29+$0x0], $0xffff;
	v10 =	vor.u32 $0xB, v2  }
0x1b4: {  	v14 =	vld.idx.msk [tilespmem:v7+s28+$0x0], $0xffff  }
0x1b5: {  	v3 =	vadd.f32 v4, v3;
	v4 =	vmul.f32 v6, v11;
	v6 =	vld.idx.msk [tilespmem:v7+s29+$0x0], $0xffff;
	v7 =	vor.u32 $0xC, v2  }
0x1b6: {  	v11 =	vld.idx.msk [tilespmem:v9+s28+$0x0], $0xffff  }
0x1b7: {  	v3 =	vadd.f32 v4, v3;
	v4 =	vmul.f32 v8, v12;
	v8 =	vld.idx.msk [tilespmem:v9+s29+$0x0], $0xffff;
	v9 =	vor.u32 $0xD, v2  }
0x1b8: {  	v12 =	vld.idx.msk [tilespmem:v10+s28+$0x0], $0xffff  }
0x1b9: {  	v3 =	vadd.f32 v4, v3;
	v4 =	vmul.f32 v5, v13;
	v5 =	vld.idx.msk [tilespmem:v10+s29+$0x0], $0xffff;
	v10 =	vor.u32 $0xE, v2  }
0x1ba: {  	v13 =	vld.idx.msk [tilespmem:v7+s28+$0x0], $0xffff  }
0x1bb: {  	v3 =	vadd.f32 v4, v3;
	v4 =	vmul.f32 v6, v14;
	v6 =	vld.idx.msk [tilespmem:v7+s29+$0x0], $0xffff;
	v7 =	vor.u32 $0xF, v2  }
0x1bc: {  	v14 =	vld.idx.msk [tilespmem:v9+s28+$0x0], $0xffff  }
0x1bd: {  	v3 =	vadd.f32 v4, v3;
	v4 =	vmul.f32 v8, v11;
	v8 =	vld.idx.msk [tilespmem:v9+s29+$0x0], $0xffff;
	v9 =	vor.u32 $0x10, v2  }
0x1be: {  	v11 =	vld.idx.msk [tilespmem:v10+s28+$0x0], $0xffff  }
0x1bf: {  	v3 =	vadd.f32 v4, v3;
	v4 =	vmul.f32 v5, v12;
	v5 =	vld.idx.msk [tilespmem:v10+s29+$0x0], $0xffff;
	v10 =	vor.u32 $0x11, v2  }
0x1c0: {  	v12 =	vld.idx.msk [tilespmem:v7+s28+$0x0], $0xffff  }
0x1c1: {  	v3 =	vadd.f32 v4, v3;
	v4 =	vmul.f32 v6, v13;
	v6 =	vld.idx.msk [tilespmem:v7+s29+$0x0], $0xffff;
	v7 =	vor.u32 $0x12, v2  }
0x1c2: {  	v13 =	vld.idx.msk [tilespmem:v9+s28+$0x0], $0xffff  }
0x1c3: {  	v3 =	vadd.f32 v4, v3;
	v4 =	vmul.f32 v8, v14;
	v8 =	vld.idx.msk [tilespmem:v9+s29+$0x0], $0xffff;
	v9 =	vor.u32 $0x13, v2  }
0x1c4: {  	v14 =	vld.idx.msk [tilespmem:v10+s28+$0x0], $0xffff  }
0x1c5: {  	v3 =	vadd.f32 v4, v3;
	v4 =	vmul.f32 v5, v11;
	v5 =	vld.idx.msk [tilespmem:v10+s29+$0x0], $0xffff;
	v10 =	vor.u32 $0x14, v2  }
0x1c6: {  	v11 =	vld.idx.msk [tilespmem:v7+s28+$0x0], $0xffff  }
0x1c7: {  	v3 =	vadd.f32 v4, v3;
	v4 =	vmul.f32 v6, v12;
	v6 =	vld.idx.msk [tilespmem:v7+s29+$0x0], $0xffff;
	v7 =	vor.u32 $0x15, v2  }
0x1c8: {  	v12 =	vld.idx.msk [tilespmem:v9+s28+$0x0], $0xffff  }
0x1c9: {  	v3 =	vadd.f32 v4, v3;
	v4 =	vmul.f32 v8, v13;
	v8 =	vld.idx.msk [tilespmem:v9+s29+$0x0], $0xffff;
	v9 =	vor.u32 $0x16, v2  }
0x1ca: {  	v13 =	vld.idx.msk [tilespmem:v10+s28+$0x0], $0xffff  }
0x1cb: {  	v3 =	vadd.f32 v4, v3;
	v4 =	vmul.f32 v5, v14;
	v5 =	vld.idx.msk [tilespmem:v10+s29+$0x0], $0xffff;
	v10 =	vor.u32 $0x17, v2  }
0x1cc: {  	v14 =	vld.idx.msk [tilespmem:v7+s28+$0x0], $0xffff  }
0x1cd: {  	v3 =	vadd.f32 v4, v3;
	v4 =	vmul.f32 v6, v11;
	v6 =	vld.idx.msk [tilespmem:v7+s29+$0x0], $0xffff;
	v7 =	vor.u32 $0x18, v2  }
0x1ce: {  	v11 =	vld.idx.msk [tilespmem:v9+s28+$0x0], $0xffff  }
0x1cf: {  	v3 =	vadd.f32 v4, v3;
	v4 =	vmul.f32 v8, v12;
	v8 =	vld.idx.msk [tilespmem:v9+s29+$0x0], $0xffff;
	v9 =	vor.u32 $0x19, v2  }
0x1d0: {  	v12 =	vld.idx.msk [tilespmem:v10+s28+$0x0], $0xffff  }
0x1d1: {  	v3 =	vadd.f32 v4, v3;
	v4 =	vmul.f32 v5, v13;
	v5 =	vld.idx.msk [tilespmem:v10+s29+$0x0], $0xffff;
	v10 =	vor.u32 $0x1A, v2  }
0x1d2: {  	v13 =	vld.idx.msk [tilespmem:v7+s28+$0x0], $0xffff  }
0x1d3: {  	v3 =	vadd.f32 v4, v3;
	v4 =	vmul.f32 v6, v14;
	v6 =	vld.idx.msk [tilespmem:v7+s29+$0x0], $0xffff;
	v7 =	vor.u32 $0x1B, v2  }
0x1d4: {  	v14 =	vld.idx.msk [tilespmem:v9+s28+$0x0], $0xffff  }
0x1d5: {  	v3 =	vadd.f32 v4, v3;
	v4 =	vmul.f32 v8, v11;
	v8 =	vld.idx.msk [tilespmem:v9+s29+$0x0], $0xffff;
	v9 =	vor.u32 $0x1C, v2  }
0x1d6: {  	v11 =	vld.idx.msk [tilespmem:v10+s28+$0x0], $0xffff  }
0x1d7: {  	v3 =	vadd.f32 v4, v3;
	v4 =	vmul.f32 v5, v12;
	v5 =	vld.idx.msk [tilespmem:v10+s29+$0x0], $0xffff;
	v10 =	vor.u32 $0x1D, v2  }
0x1d8: {  	v12 =	vld.idx.msk [tilespmem:v7+s28+$0x0], $0xffff  }
0x1d9: {  	v3 =	vadd.f32 v4, v3;
	v4 =	vmul.f32 v6, v13;
	v6 =	vld.idx.msk [tilespmem:v7+s29+$0x0], $0xffff;
	v7 =	vor.u32 $0x1E, v2  }
0x1da: {  	v13 =	vld.idx.msk [tilespmem:v9+s28+$0x0], $0xffff  }
0x1db: {  	v3 =	vadd.f32 v4, v3;
	v4 =	vmul.f32 v8, v14;
	v8 =	vld.idx.msk [tilespmem:v9+s29+$0x0], $0xffff;
	v9 =	vor.u32 $0x1F, v2  }
0x1dc: {  	v14 =	vld.idx.msk [tilespmem:v10+s28+$0x0], $0xffff  }
0x1dd: {  	v3 =	vadd.f32 v4, v3;
	v4 =	vmul.f32 v5, v11;
	v5 =	vld.idx.msk [tilespmem:v10+s29+$0x0], $0xffff;
	v10 =	vor.u32 $0x20, v2  }
0x1de: {  	v11 =	vld.idx.msk [tilespmem:v7+s28+$0x0], $0xffff  }
0x1df: {  	v3 =	vadd.f32 v4, v3;
	v4 =	vmul.f32 v6, v12;
	v6 =	vld.idx.msk [tilespmem:v7+s29+$0x0], $0xffff;
	v7 =	vor.u32 $0x21, v2  }
0x1e0: {  	v12 =	vld.idx.msk [tilespmem:v9+s28+$0x0], $0xffff  }
0x1e1: {  	v3 =	vadd.f32 v4, v3;
	v4 =	vmul.f32 v8, v13;
	v8 =	vld.idx.msk [tilespmem:v9+s29+$0x0], $0xffff;
	v9 =	vor.u32 $0x22, v2  }
0x1e2: {  	v13 =	vld.idx.msk [tilespmem:v10+s28+$0x0], $0xffff  }
0x1e3: {  	v3 =	vadd.f32 v4, v3;
	v4 =	vmul.f32 v5, v14;
	v5 =	vld.idx.msk [tilespmem:v10+s29+$0x0], $0xffff;
	v10 =	vor.u32 $0x23, v2  }
0x1e4: {  	v14 =	vld.idx.msk [tilespmem:v7+s28+$0x0], $0xffff  }
0x1e5: {  	v3 =	vadd.f32 v4, v3;
	v4 =	vmul.f32 v6, v11;
	v6 =	vld.idx.msk [tilespmem:v7+s29+$0x0], $0xffff;
	v7 =	vor.u32 $0x24, v2  }
0x1e6: {  	v11 =	vld.idx.msk [tilespmem:v9+s28+$0x0], $0xffff  }
0x1e7: {  	v3 =	vadd.f32 v4, v3;
	v4 =	vmul.f32 v8, v12;
	v8 =	vld.idx.msk [tilespmem:v9+s29+$0x0], $0xffff;
	v9 =	vor.u32 $0x25, v2  }
0x1e8: {  	v12 =	vld.idx.msk [tilespmem:v10+s28+$0x0], $0xffff  }
0x1e9: {  	v3 =	vadd.f32 v4, v3;
	v4 =	vmul.f32 v5, v13;
	v5 =	vld.idx.msk [tilespmem:v10+s29+$0x0], $0xffff;
	v10 =	vor.u32 $0x26, v2  }
0x1ea: {  	v13 =	vld.idx.msk [tilespmem:v7+s28+$0x0], $0xffff  }
0x1eb: {  	v3 =	vadd.f32 v4, v3;
	v4 =	vmul.f32 v6, v14;
	v6 =	vld.idx.msk [tilespmem:v7+s29+$0x0], $0xffff;
	v7 =	vor.u32 $0x27, v2  }
0x1ec: {  	v14 =	vld.idx.msk [tilespmem:v9+s28+$0x0], $0xffff  }
0x1ed: {  	v3 =	vadd.f32 v4, v3;
	v4 =	vmul.f32 v8, v11;
	v8 =	vld.idx.msk [tilespmem:v9+s29+$0x0], $0xffff;
	v9 =	vor.u32 $0x28, v2  }
0x1ee: {  	v11 =	vld.idx.msk [tilespmem:v10+s28+$0x0], $0xffff  }
0x1ef: {  	v3 =	vadd.f32 v4, v3;
	v4 =	vmul.f32 v5, v12;
	v5 =	vld.idx.msk [tilespmem:v10+s29+$0x0], $0xffff;
	v10 =	vor.u32 $0x29, v2  }
0x1f0: {  	v12 =	vld.idx.msk [tilespmem:v7+s28+$0x0], $0xffff  }
0x1f1: {  	v3 =	vadd.f32 v4, v3;
	v4 =	vmul.f32 v6, v13;
	v6 =	vld.idx.msk [tilespmem:v7+s29+$0x0], $0xffff;
	v7 =	vor.u32 $0x2A, v2  }
0x1f2: {  	v13 =	vld.idx.msk [tilespmem:v9+s28+$0x0], $0xffff  }
0x1f3: {  	v3 =	vadd.f32 v4, v3;
	v4 =	vmul.f32 v8, v14;
	v8 =	vld.idx.msk [tilespmem:v9+s29+$0x0], $0xffff;
	v9 =	vor.u32 $0x2B, v2  }
0x1f4: {  	v14 =	vld.idx.msk [tilespmem:v10+s28+$0x0], $0xffff  }
0x1f5: {  	v3 =	vadd.f32 v4, v3;
	v4 =	vmul.f32 v5, v11;
	v5 =	vld.idx.msk [tilespmem:v10+s29+$0x0], $0xffff;
	v10 =	vor.u32 $0x2C, v2  }
0x1f6: {  	v11 =	vld.idx.msk [tilespmem:v7+s28+$0x0], $0xffff  }
0x1f7: {  	v3 =	vadd.f32 v4, v3;
	v4 =	vmul.f32 v6, v12;
	v6 =	vld.idx.msk [tilespmem:v7+s29+$0x0], $0xffff;
	v7 =	vor.u32 $0x2D, v2  }
0x1f8: {  	v12 =	vld.idx.msk [tilespmem:v9+s28+$0x0], $0xffff  }
0x1f9: {  	v3 =	vadd.f32 v4, v3;
	v4 =	vmul.f32 v8, v13;
	v8 =	vld.idx.msk [tilespmem:v9+s29+$0x0], $0xffff;
	v9 =	vor.u32 $0x2E, v2  }
0x1fa: {  	v13 =	vld.idx.msk [tilespmem:v10+s28+$0x0], $0xffff  }
0x1fb: {  	v3 =	vadd.f32 v4, v3;
	v4 =	vmul.f32 v5, v14;
	v5 =	vld.idx.msk [tilespmem:v10+s29+$0x0], $0xffff;
	v10 =	vor.u32 $0x2F, v2  }
0x1fc: {  	v14 =	vld.idx.msk [tilespmem:v7+s28+$0x0], $0xffff  }
0x1fd: {  	v3 =	vadd.f32 v4, v3;
	v4 =	vmul.f32 v6, v11;
	v6 =	vld.idx.msk [tilespmem:v7+s29+$0x0], $0xffff;
	v7 =	vor.u32 $0x30, v2  }
0x1fe: {  	v11 =	vld.idx.msk [tilespmem:v9+s28+$0x0], $0xffff  }
0x1ff: {  	v3 =	vadd.f32 v4, v3;
	v4 =	vmul.f32 v8, v12;
	v8 =	vld.idx.msk [tilespmem:v9+s29+$0x0], $0xffff;
	v9 =	vor.u32 $0x31, v2  }
0x200: {  	v12 =	vld.idx.msk [tilespmem:v10+s28+$0x0], $0xffff  }
0x201: {  	v3 =	vadd.f32 v4, v3;
	v4 =	vmul.f32 v5, v13;
	v5 =	vld.idx.msk [tilespmem:v10+s29+$0x0], $0xffff;
	v10 =	vor.u32 $0x32, v2  }
0x202: {  	v13 =	vld.idx.msk [tilespmem:v7+s28+$0x0], $0xffff  }
0x203: {  	v3 =	vadd.f32 v4, v3;
	v4 =	vmul.f32 v6, v14;
	v6 =	vld.idx.msk [tilespmem:v7+s29+$0x0], $0xffff;
	v7 =	vor.u32 $0x33, v2  }
0x204: {  	v14 =	vld.idx.msk [tilespmem:v9+s28+$0x0], $0xffff  }
0x205: {  	v3 =	vadd.f32 v4, v3;
	v4 =	vmul.f32 v8, v11;
	v8 =	vld.idx.msk [tilespmem:v9+s29+$0x0], $0xffff;
	v9 =	vor.u32 $0x34, v2  }
0x206: {  	v11 =	vld.idx.msk [tilespmem:v10+s28+$0x0], $0xffff  }
0x207: {  	v3 =	vadd.f32 v4, v3;
	v4 =	vmul.f32 v5, v12;
	v5 =	vld.idx.msk [tilespmem:v10+s29+$0x0], $0xffff;
	v10 =	vor.u32 $0x35, v2  }
0x208: {  	v12 =	vld.idx.msk [tilespmem:v7+s28+$0x0], $0xffff  }
0x209: {  	v3 =	vadd.f32 v4, v3;
	v4 =	vmul.f32 v6, v13;
	v6 =	vld.idx.msk [tilespmem:v7+s29+$0x0], $0xffff;
	v7 =	vor.u32 $0x36, v2  }
0x20a: {  	v13 =	vld.idx.msk [tilespmem:v9+s28+$0x0], $0xffff  }
0x20b: {  	v3 =	vadd.f32 v4, v3;
	v4 =	vmul.f32 v8, v14;
	v8 =	vld.idx.msk [tilespmem:v9+s29+$0x0], $0xffff;
	v9 =	vor.u32 $0x37, v2  }
0x20c: {  	v14 =	vld.idx.msk [tilespmem:v10+s28+$0x0], $0xffff  }
0x20d: {  	v3 =	vadd.f32 v4, v3;
	v4 =	vmul.f32 v5, v11;
	v5 =	vld.idx.msk [tilespmem:v10+s29+$0x0], $0xffff;
	v10 =	vor.u32 $0x38, v2  }
0x20e: {  	v11 =	vld.idx.msk [tilespmem:v7+s28+$0x0], $0xffff  }
0x20f: {  	v3 =	vadd.f32 v4, v3;
	v4 =	vmul.f32 v6, v12;
	v6 =	vld.idx.msk [tilespmem:v7+s29+$0x0], $0xffff;
	v7 =	vor.u32 $0x39, v2  }
0x210: {  	v12 =	vld.idx.msk [tilespmem:v9+s28+$0x0], $0xffff  }
0x211: {  	v3 =	vadd.f32 v4, v3;
	v4 =	vmul.f32 v8, v13;
	v8 =	vld.idx.msk [tilespmem:v9+s29+$0x0], $0xffff;
	v9 =	vor.u32 $0x3A, v2  }
0x212: {  	v13 =	vld.idx.msk [tilespmem:v10+s28+$0x0], $0xffff  }
0x213: {  	v3 =	vadd.f32 v4, v3;
	v4 =	vmul.f32 v5, v14;
	v5 =	vld.idx.msk [tilespmem:v10+s29+$0x0], $0xffff;
	v10 =	vor.u32 $0x3B, v2  }
0x214: {  	v14 =	vld.idx.msk [tilespmem:v7+s28+$0x0], $0xffff  }
0x215: {  	v3 =	vadd.f32 v4, v3;
	v4 =	vmul.f32 v6, v11;
	v6 =	vld.idx.msk [tilespmem:v7+s29+$0x0], $0xffff;
	v7 =	vor.u32 $0x3C, v2  }
0x216: {  	v11 =	vld.idx.msk [tilespmem:v9+s28+$0x0], $0xffff  }
0x217: {  	v3 =	vadd.f32 v4, v3;
	v4 =	vmul.f32 v8, v12;
	v8 =	vld.idx.msk [tilespmem:v9+s29+$0x0], $0xffff;
	v9 =	vor.u32 $0x3D, v2  }
0x218: {  	v12 =	vld.idx.msk [tilespmem:v10+s28+$0x0], $0xffff  }
0x219: {  	v3 =	vadd.f32 v4, v3;
	v4 =	vmul.f32 v5, v13;
	v5 =	vld.idx.msk [tilespmem:v10+s29+$0x0], $0xffff;
	v10 =	vor.u32 $0x3E, v2  }
0x21a: {  	v13 =	vld.idx.msk [tilespmem:v7+s28+$0x0], $0xffff  }
0x21b: {  	v2 =	vor.u32 $0x3F, v2;
	v3 =	vadd.f32 v4, v3;
	v4 =	vmul.f32 v6, v14;
	v6 =	vld.idx.msk [tilespmem:v7+s29+$0x0], $0xffff  }
0x21c: {  	v7 =	vld.idx.msk [tilespmem:v9+s28+$0x0], $0xffff  }
0x21d: {  	v3 =	vadd.f32 v4, v3;
	v4 =	vmul.f32 v8, v11;
	v8 =	vld.idx.msk [tilespmem:v9+s29+$0x0], $0xffff  }
0x21e: {  	v9 =	vld.idx.msk [tilespmem:v10+s28+$0x0], $0xffff  }
0x21f: {  	v3 =	vadd.f32 v4, v3;
	v4 =	vmul.f32 v5, v12;
	v5 =	vld.idx.msk [tilespmem:v10+s29+$0x0], $0xffff  }
0x220: {  	v10 =	vld.idx.msk [tilespmem:v2+s28+$0x0], $0xffff  }
0x221: {  	v3 =	vadd.f32 v4, v3;
	v4 =	vmul.f32 v6, v13;
	v2 =	vld.idx.msk [tilespmem:v2+s29+$0x0], $0xffff;
	_ =	sdelay $0x1  }
0x222: {  	v3 =	vadd.f32 v4, v3;
	v4 =	vmul.f32 v8, v7;
	_ =	sdelay $0x1  }
0x223: {  	s5 =	sadd.s32 $0x10, s5;
	v3 =	vadd.f32 v4, v3;
	v4 =	vmul.f32 v5, v9  }
0x224: {  	v5 =	vld [tilespmem:s5+$0x0]  }
0x225: {  	s3 =	sadd.s32 $0x10, s3;
	v4 =	vadd.f32 v4, v3;
	v2 =	vmul.f32 v2, v10  }
.Ltmp0:
0x226: {  	v3 =	vld [tilespmem:s3+$0x0];
	(pc) =	sbr.rel @p0 .LBB2_2-.Ltmp0, $3  }
0x227: {  	v2 =	vadd.f32 v2, v4;
	_ =	sdelay $0x1  }
0x228: {  	v6 =	vmov s8;
	v4 =	vadd.f32 v2, v5  }
0x229: {  	s8 =	sadd.s32 $0x10, s8;
	v2 =	vshll.u32 v6, $0x6  }
0x22a: {  	v2 =	vor.u32 v0, v2;
	v3 =	vadd.f32 v4, v3;
	_ =	sdelay $0x1  }
0x22b: {  	v17 =	vor.u32 $0x1, v2;
	v3 =	vadd.f32 v3, v1  }
0x22c: {  	s8 =	sadd.s32 $0x10, s26  }
0x22d: {  	v5 =	vor.u32 $0x2, v2;
	[tilespmem:s8+$0x0] =	vst v3  }
0x22e: {  	v3 =	vld.idx.msk [tilespmem:v2+s29+$0x0], $0xffff  }
0x22f: {  	v7 =	vor.u32 $0x3, v2;
	v6 =	vld.idx.msk [tilespmem:v2+s28+$0x0], $0xffff  }
0x230: {  	v8 =	vld.idx.msk [tilespmem:v17+s28+$0x0], $0xffff  }
0x231: {  	v9 =	vor.u32 $0x4, v2;
	v4 =	vld.idx.msk [tilespmem:v17+s29+$0x0], $0xffff  }
0x232: {  	v10 =	vld.idx.msk [tilespmem:v5+s28+$0x0], $0xffff  }
0x233: {  	v11 =	vor.u32 $0x5, v2;
	v5 =	vld.idx.msk [tilespmem:v5+s29+$0x0], $0xffff  }
0x234: {  	v12 =	vld.idx.msk [tilespmem:v7+s28+$0x0], $0xffff;
	v3 =	vmul.f32 v3, v6  }
0x235: {  	v19 =	vor.u32 $0x6, v2;
	v18 =	vld.idx.msk [tilespmem:v7+s29+$0x0], $0xffff  }
0x236: {  	v13 =	vld.idx.msk [tilespmem:v9+s28+$0x0], $0xffff;
	v4 =	vmul.f32 v4, v8;
	v3 =	vadd.f32 $0.0e+00, v3  }
0x237: {  	v21 =	vor.u32 $0x7, v2;
	v20 =	vld.idx.msk [tilespmem:v9+s29+$0x0], $0xffff  }
0x238: {  	v14 =	vld.idx.msk [tilespmem:v11+s28+$0x0], $0xffff;
	v22 =	vmul.f32 v5, v10;
	v3 =	vadd.f32 v4, v3  }
0x239: {  	v24 =	vor.u32 $0x8, v2;
	v23 =	vld.idx.msk [tilespmem:v11+s29+$0x0], $0xffff  }
0x23a: {  	v25 =	vld.idx.msk [tilespmem:v19+s28+$0x0], $0xffff;
	v26 =	vmul.f32 v18, v12;
	v3 =	vadd.f32 v22, v3  }
0x23b: {  	v28 =	vor.u32 $0x9, v2;
	v27 =	vld.idx.msk [tilespmem:v19+s29+$0x0], $0xffff  }
0x23c: {  	v29 =	vld.idx.msk [tilespmem:v21+s28+$0x0], $0xffff;
	v30 =	vmul.f32 v20, v13;
	v3 =	vadd.f32 v26, v3  }
0x23d: {  	v32 =	vor.u32 $0xA, v2;
	v31 =	vld.idx.msk [tilespmem:v21+s29+$0x0], $0xffff  }
0x23e: {  	v33 =	vld.idx.msk [tilespmem:v24+s28+$0x0], $0xffff;
	v34 =	vmul.f32 v23, v14;
	v3 =	vadd.f32 v30, v3  }
0x23f: {  	v36 =	vor.u32 $0xB, v2;
	v35 =	vld.idx.msk [tilespmem:v24+s29+$0x0], $0xffff  }
0x240: {  	v37 =	vld.idx.msk [tilespmem:v28+s28+$0x0], $0xffff;
	v38 =	vmul.f32 v27, v25;
	v3 =	vadd.f32 v34, v3  }
0x241: {  	v40 =	vor.u32 $0xC, v2;
	v39 =	vld.idx.msk [tilespmem:v28+s29+$0x0], $0xffff  }
0x242: {  	v41 =	vld.idx.msk [tilespmem:v32+s28+$0x0], $0xffff;
	v42 =	vmul.f32 v31, v29;
	v3 =	vadd.f32 v38, v3  }
0x243: {  	v44 =	vor.u32 $0xD, v2;
	v43 =	vld.idx.msk [tilespmem:v32+s29+$0x0], $0xffff  }
0x244: {  	v45 =	vld.idx.msk [tilespmem:v36+s28+$0x0], $0xffff;
	v46 =	vmul.f32 v35, v33;
	v3 =	vadd.f32 v42, v3  }
0x245: {  	v48 =	vor.u32 $0xE, v2;
	v47 =	vld.idx.msk [tilespmem:v36+s29+$0x0], $0xffff  }
0x246: {  	v49 =	vld.idx.msk [tilespmem:v40+s28+$0x0], $0xffff;
	v50 =	vmul.f32 v39, v37;
	v3 =	vadd.f32 v46, v3  }
0x247: {  	v52 =	vor.u32 $0xF, v2;
	v51 =	vld.idx.msk [tilespmem:v40+s29+$0x0], $0xffff  }
0x248: {  	v53 =	vld.idx.msk [tilespmem:v44+s28+$0x0], $0xffff;
	v54 =	vmul.f32 v43, v41;
	v3 =	vadd.f32 v50, v3  }
0x249: {  	v56 =	vor.u32 $0x10, v2;
	v55 =	vld.idx.msk [tilespmem:v44+s29+$0x0], $0xffff  }
0x24a: {  	v57 =	vld.idx.msk [tilespmem:v48+s28+$0x0], $0xffff;
	v58 =	vmul.f32 v47, v45;
	v3 =	vadd.f32 v54, v3  }
0x24b: {  	v60 =	vor.u32 $0x11, v2;
	v59 =	vld.idx.msk [tilespmem:v48+s29+$0x0], $0xffff  }
0x24c: {  	v61 =	vld.idx.msk [tilespmem:v52+s28+$0x0], $0xffff;
	v62 =	vmul.f32 v51, v49;
	v3 =	vadd.f32 v58, v3  }
0x24d: {  	v16 =	vor.u32 $0x12, v2;
	v63 =	vld.idx.msk [tilespmem:v52+s29+$0x0], $0xffff  }
0x24e: {  	v17 =	vld.idx.msk [tilespmem:v56+s28+$0x0], $0xffff;
	v18 =	vmul.f32 v55, v53;
	v3 =	vadd.f32 v62, v3  }
0x24f: {  	v19 =	vld.idx.msk [tilespmem:v56+s29+$0x0], $0xffff;
	v20 =	vor.u32 $0x13, v2  }
0x250: {  	v21 =	vld.idx.msk [tilespmem:v60+s28+$0x0], $0xffff;
	v22 =	vmul.f32 v59, v57;
	v3 =	vadd.f32 v18, v3  }
0x251: {  	v24 =	vor.u32 $0x14, v2;
	v23 =	vld.idx.msk [tilespmem:v60+s29+$0x0], $0xffff  }
0x252: {  	v25 =	vld.idx.msk [tilespmem:v16+s28+$0x0], $0xffff;
	v26 =	vmul.f32 v63, v61;
	v3 =	vadd.f32 v22, v3  }
0x253: {  	v28 =	vor.u32 $0x15, v2;
	v27 =	vld.idx.msk [tilespmem:v16+s29+$0x0], $0xffff  }
0x254: {  	v29 =	vld.idx.msk [tilespmem:v20+s28+$0x0], $0xffff;
	v30 =	vmul.f32 v19, v17;
	v3 =	vadd.f32 v26, v3  }
0x255: {  	v32 =	vor.u32 $0x16, v2;
	v31 =	vld.idx.msk [tilespmem:v20+s29+$0x0], $0xffff  }
0x256: {  	v33 =	vld.idx.msk [tilespmem:v24+s28+$0x0], $0xffff;
	v34 =	vmul.f32 v23, v21;
	v3 =	vadd.f32 v30, v3  }
0x257: {  	v36 =	vor.u32 $0x17, v2;
	v35 =	vld.idx.msk [tilespmem:v24+s29+$0x0], $0xffff  }
0x258: {  	v37 =	vld.idx.msk [tilespmem:v28+s28+$0x0], $0xffff;
	v38 =	vmul.f32 v27, v25;
	v3 =	vadd.f32 v34, v3  }
0x259: {  	v40 =	vor.u32 $0x18, v2;
	v39 =	vld.idx.msk [tilespmem:v28+s29+$0x0], $0xffff  }
0x25a: {  	v41 =	vld.idx.msk [tilespmem:v32+s28+$0x0], $0xffff;
	v42 =	vmul.f32 v31, v29;
	v3 =	vadd.f32 v38, v3  }
0x25b: {  	v44 =	vor.u32 $0x19, v2;
	v43 =	vld.idx.msk [tilespmem:v32+s29+$0x0], $0xffff  }
0x25c: {  	v45 =	vld.idx.msk [tilespmem:v36+s28+$0x0], $0xffff;
	v46 =	vmul.f32 v35, v33;
	v3 =	vadd.f32 v42, v3  }
0x25d: {  	v48 =	vor.u32 $0x1A, v2;
	v47 =	vld.idx.msk [tilespmem:v36+s29+$0x0], $0xffff  }
0x25e: {  	v49 =	vld.idx.msk [tilespmem:v40+s28+$0x0], $0xffff;
	v50 =	vmul.f32 v39, v37;
	v3 =	vadd.f32 v46, v3  }
0x25f: {  	v52 =	vor.u32 $0x1B, v2;
	v51 =	vld.idx.msk [tilespmem:v40+s29+$0x0], $0xffff  }
0x260: {  	v53 =	vld.idx.msk [tilespmem:v44+s28+$0x0], $0xffff;
	v54 =	vmul.f32 v43, v41;
	v3 =	vadd.f32 v50, v3  }
0x261: {  	v56 =	vor.u32 $0x1C, v2;
	v55 =	vld.idx.msk [tilespmem:v44+s29+$0x0], $0xffff  }
0x262: {  	v57 =	vld.idx.msk [tilespmem:v48+s28+$0x0], $0xffff;
	v58 =	vmul.f32 v47, v45;
	v3 =	vadd.f32 v54, v3  }
0x263: {  	v60 =	vor.u32 $0x1D, v2;
	v59 =	vld.idx.msk [tilespmem:v48+s29+$0x0], $0xffff  }
0x264: {  	v61 =	vld.idx.msk [tilespmem:v52+s28+$0x0], $0xffff;
	v62 =	vmul.f32 v51, v49;
	v3 =	vadd.f32 v58, v3  }
0x265: {  	v16 =	vor.u32 $0x1E, v2;
	v63 =	vld.idx.msk [tilespmem:v52+s29+$0x0], $0xffff  }
0x266: {  	v17 =	vld.idx.msk [tilespmem:v56+s28+$0x0], $0xffff;
	v18 =	vmul.f32 v55, v53;
	v3 =	vadd.f32 v62, v3  }
0x267: {  	v20 =	vor.u32 $0x1F, v2;
	v19 =	vld.idx.msk [tilespmem:v56+s29+$0x0], $0xffff  }
0x268: {  	v21 =	vld.idx.msk [tilespmem:v60+s28+$0x0], $0xffff;
	v22 =	vmul.f32 v59, v57;
	v3 =	vadd.f32 v18, v3  }
0x269: {  	v24 =	vor.u32 $0x20, v2;
	v23 =	vld.idx.msk [tilespmem:v60+s29+$0x0], $0xffff  }
0x26a: {  	v25 =	vld.idx.msk [tilespmem:v16+s28+$0x0], $0xffff;
	v26 =	vmul.f32 v63, v61;
	v3 =	vadd.f32 v22, v3  }
0x26b: {  	v28 =	vor.u32 $0x21, v2;
	v27 =	vld.idx.msk [tilespmem:v16+s29+$0x0], $0xffff  }
0x26c: {  	v29 =	vld.idx.msk [tilespmem:v20+s28+$0x0], $0xffff;
	v30 =	vmul.f32 v19, v17;
	v3 =	vadd.f32 v26, v3  }
0x26d: {  	v32 =	vor.u32 $0x22, v2;
	v31 =	vld.idx.msk [tilespmem:v20+s29+$0x0], $0xffff  }
0x26e: {  	v33 =	vld.idx.msk [tilespmem:v24+s28+$0x0], $0xffff;
	v34 =	vmul.f32 v23, v21;
	v3 =	vadd.f32 v30, v3  }
0x26f: {  	v36 =	vor.u32 $0x23, v2;
	v35 =	vld.idx.msk [tilespmem:v24+s29+$0x0], $0xffff  }
0x270: {  	v37 =	vld.idx.msk [tilespmem:v28+s28+$0x0], $0xffff;
	v38 =	vmul.f32 v27, v25;
	v3 =	vadd.f32 v34, v3  }
0x271: {  	v40 =	vor.u32 $0x24, v2;
	v39 =	vld.idx.msk [tilespmem:v28+s29+$0x0], $0xffff  }
0x272: {  	v41 =	vld.idx.msk [tilespmem:v32+s28+$0x0], $0xffff;
	v42 =	vmul.f32 v31, v29;
	v3 =	vadd.f32 v38, v3  }
0x273: {  	v44 =	vor.u32 $0x25, v2;
	v43 =	vld.idx.msk [tilespmem:v32+s29+$0x0], $0xffff  }
0x274: {  	v45 =	vld.idx.msk [tilespmem:v36+s28+$0x0], $0xffff;
	v46 =	vmul.f32 v35, v33;
	v3 =	vadd.f32 v42, v3  }
0x275: {  	v48 =	vor.u32 $0x26, v2;
	v47 =	vld.idx.msk [tilespmem:v36+s29+$0x0], $0xffff  }
0x276: {  	v49 =	vld.idx.msk [tilespmem:v40+s28+$0x0], $0xffff;
	v50 =	vmul.f32 v39, v37;
	v3 =	vadd.f32 v46, v3  }
0x277: {  	v52 =	vor.u32 $0x27, v2;
	v51 =	vld.idx.msk [tilespmem:v40+s29+$0x0], $0xffff  }
0x278: {  	v53 =	vld.idx.msk [tilespmem:v44+s28+$0x0], $0xffff;
	v54 =	vmul.f32 v43, v41;
	v3 =	vadd.f32 v50, v3  }
0x279: {  	v56 =	vor.u32 $0x28, v2;
	v55 =	vld.idx.msk [tilespmem:v44+s29+$0x0], $0xffff  }
0x27a: {  	v57 =	vld.idx.msk [tilespmem:v48+s28+$0x0], $0xffff;
	v58 =	vmul.f32 v47, v45;
	v3 =	vadd.f32 v54, v3  }
0x27b: {  	v60 =	vor.u32 $0x29, v2;
	v59 =	vld.idx.msk [tilespmem:v48+s29+$0x0], $0xffff  }
0x27c: {  	v61 =	vld.idx.msk [tilespmem:v52+s28+$0x0], $0xffff;
	v62 =	vmul.f32 v51, v49;
	v3 =	vadd.f32 v58, v3  }
0x27d: {  	v16 =	vor.u32 $0x2A, v2;
	v63 =	vld.idx.msk [tilespmem:v52+s29+$0x0], $0xffff  }
0x27e: {  	v17 =	vld.idx.msk [tilespmem:v56+s28+$0x0], $0xffff;
	v18 =	vmul.f32 v55, v53;
	v3 =	vadd.f32 v62, v3  }
0x27f: {  	v20 =	vor.u32 $0x2B, v2;
	v19 =	vld.idx.msk [tilespmem:v56+s29+$0x0], $0xffff  }
0x280: {  	v21 =	vld.idx.msk [tilespmem:v60+s28+$0x0], $0xffff;
	v22 =	vmul.f32 v59, v57;
	v3 =	vadd.f32 v18, v3  }
0x281: {  	v24 =	vor.u32 $0x2C, v2;
	v23 =	vld.idx.msk [tilespmem:v60+s29+$0x0], $0xffff  }
0x282: {  	v25 =	vld.idx.msk [tilespmem:v16+s28+$0x0], $0xffff;
	v26 =	vmul.f32 v63, v61;
	v3 =	vadd.f32 v22, v3  }
0x283: {  	v28 =	vor.u32 $0x2D, v2;
	v27 =	vld.idx.msk [tilespmem:v16+s29+$0x0], $0xffff  }
0x284: {  	v29 =	vld.idx.msk [tilespmem:v20+s28+$0x0], $0xffff;
	v30 =	vmul.f32 v19, v17;
	v3 =	vadd.f32 v26, v3  }
0x285: {  	v32 =	vor.u32 $0x2E, v2;
	v31 =	vld.idx.msk [tilespmem:v20+s29+$0x0], $0xffff  }
0x286: {  	v33 =	vld.idx.msk [tilespmem:v24+s28+$0x0], $0xffff;
	v34 =	vmul.f32 v23, v21;
	v3 =	vadd.f32 v30, v3  }
0x287: {  	v36 =	vor.u32 $0x2F, v2;
	v35 =	vld.idx.msk [tilespmem:v24+s29+$0x0], $0xffff  }
0x288: {  	v37 =	vld.idx.msk [tilespmem:v28+s28+$0x0], $0xffff;
	v38 =	vmul.f32 v27, v25;
	v3 =	vadd.f32 v34, v3  }
0x289: {  	v40 =	vor.u32 $0x30, v2;
	v39 =	vld.idx.msk [tilespmem:v28+s29+$0x0], $0xffff  }
0x28a: {  	v41 =	vld.idx.msk [tilespmem:v32+s28+$0x0], $0xffff;
	v42 =	vmul.f32 v31, v29;
	v3 =	vadd.f32 v38, v3  }
0x28b: {  	v44 =	vor.u32 $0x31, v2;
	v43 =	vld.idx.msk [tilespmem:v32+s29+$0x0], $0xffff  }
0x28c: {  	v45 =	vld.idx.msk [tilespmem:v36+s28+$0x0], $0xffff;
	v46 =	vmul.f32 v35, v33;
	v3 =	vadd.f32 v42, v3  }
0x28d: {  	v48 =	vor.u32 $0x32, v2;
	v47 =	vld.idx.msk [tilespmem:v36+s29+$0x0], $0xffff  }
0x28e: {  	v49 =	vld.idx.msk [tilespmem:v40+s28+$0x0], $0xffff;
	v50 =	vmul.f32 v39, v37;
	v3 =	vadd.f32 v46, v3  }
0x28f: {  	v52 =	vor.u32 $0x33, v2;
	v51 =	vld.idx.msk [tilespmem:v40+s29+$0x0], $0xffff  }
0x290: {  	v53 =	vld.idx.msk [tilespmem:v44+s28+$0x0], $0xffff;
	v54 =	vmul.f32 v43, v41;
	v3 =	vadd.f32 v50, v3  }
0x291: {  	v56 =	vor.u32 $0x34, v2;
	v55 =	vld.idx.msk [tilespmem:v44+s29+$0x0], $0xffff  }
0x292: {  	v57 =	vld.idx.msk [tilespmem:v48+s28+$0x0], $0xffff;
	v58 =	vmul.f32 v47, v45;
	v3 =	vadd.f32 v54, v3  }
0x293: {  	v60 =	vor.u32 $0x35, v2;
	v59 =	vld.idx.msk [tilespmem:v48+s29+$0x0], $0xffff  }
0x294: {  	v61 =	vld.idx.msk [tilespmem:v52+s28+$0x0], $0xffff;
	v62 =	vmul.f32 v51, v49;
	v3 =	vadd.f32 v58, v3  }
0x295: {  	v16 =	vor.u32 $0x36, v2;
	v63 =	vld.idx.msk [tilespmem:v52+s29+$0x0], $0xffff  }
0x296: {  	v17 =	vld.idx.msk [tilespmem:v56+s28+$0x0], $0xffff;
	v18 =	vmul.f32 v55, v53;
	v3 =	vadd.f32 v62, v3  }
0x297: {  	v20 =	vor.u32 $0x37, v2;
	v19 =	vld.idx.msk [tilespmem:v56+s29+$0x0], $0xffff  }
0x298: {  	v21 =	vld.idx.msk [tilespmem:v60+s28+$0x0], $0xffff;
	v22 =	vmul.f32 v59, v57;
	v3 =	vadd.f32 v18, v3  }
0x299: {  	v24 =	vor.u32 $0x38, v2;
	v23 =	vld.idx.msk [tilespmem:v60+s29+$0x0], $0xffff  }
0x29a: {  	v25 =	vld.idx.msk [tilespmem:v16+s28+$0x0], $0xffff;
	v26 =	vmul.f32 v63, v61;
	v3 =	vadd.f32 v22, v3  }
0x29b: {  	v28 =	vor.u32 $0x39, v2;
	v27 =	vld.idx.msk [tilespmem:v16+s29+$0x0], $0xffff  }
0x29c: {  	v29 =	vld.idx.msk [tilespmem:v20+s28+$0x0], $0xffff;
	v30 =	vmul.f32 v19, v17;
	v3 =	vadd.f32 v26, v3  }
0x29d: {  	v32 =	vor.u32 $0x3A, v2;
	v31 =	vld.idx.msk [tilespmem:v20+s29+$0x0], $0xffff  }
0x29e: {  	v33 =	vld.idx.msk [tilespmem:v24+s28+$0x0], $0xffff;
	v34 =	vmul.f32 v23, v21;
	v3 =	vadd.f32 v30, v3  }
0x29f: {  	v36 =	vor.u32 $0x3B, v2;
	v35 =	vld.idx.msk [tilespmem:v24+s29+$0x0], $0xffff  }
0x2a0: {  	v37 =	vld.idx.msk [tilespmem:v28+s28+$0x0], $0xffff;
	v38 =	vmul.f32 v27, v25;
	v3 =	vadd.f32 v34, v3  }
0x2a1: {  	v40 =	vor.u32 $0x3C, v2;
	v39 =	vld.idx.msk [tilespmem:v28+s29+$0x0], $0xffff  }
0x2a2: {  	v41 =	vld.idx.msk [tilespmem:v32+s28+$0x0], $0xffff;
	v42 =	vmul.f32 v31, v29;
	v3 =	vadd.f32 v38, v3  }
0x2a3: {  	v44 =	vor.u32 $0x3D, v2;
	v43 =	vld.idx.msk [tilespmem:v32+s29+$0x0], $0xffff  }
0x2a4: {  	v45 =	vld.idx.msk [tilespmem:v36+s28+$0x0], $0xffff;
	v46 =	vmul.f32 v35, v33;
	v3 =	vadd.f32 v42, v3  }
0x2a5: {  	v48 =	vor.u32 $0x3E, v2;
	v47 =	vld.idx.msk [tilespmem:v36+s29+$0x0], $0xffff  }
0x2a6: {  	v49 =	vld.idx.msk [tilespmem:v40+s28+$0x0], $0xffff;
	v50 =	vmul.f32 v39, v37;
	v3 =	vadd.f32 v46, v3  }
0x2a7: {  	v2 =	vor.u32 $0x3F, v2;
	v51 =	vld.idx.msk [tilespmem:v40+s29+$0x0], $0xffff  }
0x2a8: {  	v52 =	vld.idx.msk [tilespmem:v44+s28+$0x0], $0xffff;
	v53 =	vmul.f32 v43, v41;
	v3 =	vadd.f32 v50, v3  }
0x2a9: {  	v54 =	vld.idx.msk [tilespmem:v44+s29+$0x0], $0xffff  }
0x2aa: {  	v55 =	vld.idx.msk [tilespmem:v48+s28+$0x0], $0xffff;
	v56 =	vmul.f32 v47, v45;
	v3 =	vadd.f32 v53, v3  }
0x2ab: {  	v57 =	vld.idx.msk [tilespmem:v48+s29+$0x0], $0xffff  }
0x2ac: {  	v59 =	vmul.f32 v51, v49;
	v58 =	vld.idx.msk [tilespmem:v2+s28+$0x0], $0xffff;
	v3 =	vadd.f32 v56, v3  }
0x2ad: {  	v2 =	vld.idx.msk [tilespmem:v2+s29+$0x0], $0xffff  }
0x2ae: {  	v60 =	vmul.f32 v54, v52;
	v3 =	vadd.f32 v59, v3;
	_ =	sdelay $0x1  }
0x2af: {  	s5 =	sadd.s32 $0x10, s5;
	v61 =	vmul.f32 v57, v55;
	v3 =	vadd.f32 v60, v3  }
0x2b0: {  	v62 =	vld [tilespmem:s5+$0x0]  }
0x2b1: {  	s3 =	sadd.s32 $0x10, s3;
	v2 =	vmul.f32 v2, v58;
	v3 =	vadd.f32 v61, v3  }
0x2b2: {  	v63 =	vld [tilespmem:s3+$0x0]  }
0x2b3: {  	v2 =	vadd.f32 v2, v3;
	_ =	sdelay $0x1  }
0x2b4: {  	v2 =	vadd.f32 v2, v62;
	_ =	sdelay $0x1  }
0x2b5: {  	v2 =	vadd.f32 v2, v63;
	_ =	sdelay $0x1  }
0x2b6: {  	s0 =	sadd.s32 $0x1, s0;
	v1 =	vadd.f32 v2, v1  }
0x2b7: {  	s26 =	sadd.s32 $0x10, s8;
	p0 =	sne.s32 s0, s17  }
.Ltmp1:
0x2b8: {  	[tilespmem:s26+$0x0] =	vst v1;
	(pc) =	sbr.rel @p0 .LBB2_1-.Ltmp1, $4  }
0x2b9: {  	[hbm4b:s16+s4] =	stream.linear.scatter [tilespmem:s31], [sflag:$0x2], $0x200, $0x38;
	[tilespmem:$0x10A10] =	vst v63  }
0x2ba: {  	_ =	swait.ge [sflag:s18], $0x200  }
0x2bb: {  	[sflag:s18] =	ssyncset.done $0x0  }
0x2bc: {  	[sflag:s18] =	ssyncadd.s32 $0xFFFFFE00  }
0x2bd: {  	_ =	sfence.sel $0x180000  }
0x2be: {  	[bflag:$0x0] =	sbarrier.arrive $0xFFFF  }
0x2bf: {  	_ =	strace $0x90000047  }
0x2c0: {  	s0 =	stileid.u32;
	[bflag:$0x2] =	sbarrier.arrive $0xFFFF  }
0x2c1: {  	p0 =	sne.s32 s0, $0x0;
	s0 =	rddreg [dreg:$0x7]  }
0x2c2: {  	s0 =	sadd.s32 @!p0 $0x100000, s0  }
0x2c3: {  	[sflag:s0] =	ssyncadd.tile.s32 @!p0 $0x1;
	_ =	shalt  }
.Lfunc_end2:
_tile_overlayer_lowered:
.L_overlay_start_2:
0x2c4: {  	(tag) =	ssettag $0x2  }
0x2c5: {  	s0 =	rddreg [dreg:$0x0];
	s2 =	stileid.u32  }
0x2c6: {  	s1 =	rddreg [dreg:$0x1];
	p0 =	sne.s32 s2, $0x0  }
0x2c7: {  	s3 =	rddreg [dreg:$0x2];
	[bflag:$0x3] =	sbarrier.arrive $0xFFFF;
	s2 =	simm.s32 @!p0 $0x1C02  }
0x2c8: {  	[timem:s3], [sflag:s2] =	dma.local @!p0 [hbm:s0], s1  }
0x2c9: {  	s0 =	simm.s32 @!p0 $0x2  }
0x2ca: {  	_ =	swait.ge @!p0 [sflag:s0], s1  }
0x2cb: {  	s1 =	ssub.s32 @!p0 $0x0, s1;
	[sflag:s0] =	ssyncset.done @!p0 $0x0  }
0x2cc: {  	[sflag:s0] =	ssyncadd.s32 @!p0 s1  }
0x2cd: {  	[bflag:$0x3] =	sbarrier.arrive $0xFFFF  }
0x2ce: {  	_ =	shalt  }

</sc_bundles>
